<compile_context>
chip_gen: v7x
topology: tpu7x:2x2x1
jax: 0.10.2.dev20260603
libtpu: 0.0.44.dev20260713+nightly
codegen_flags: <defaults>
</compile_context>

<pallas_src>
import functools

import jax
import jax.numpy as jnp
from jax import lax
from jax.experimental import pallas as pl
from jax.experimental.pallas import tpu as pltpu
from jax.experimental.pallas import tpu_sc as plsc

_N = 50000
_NFEAT = 128
_NRBF = 20
_CUTOFF = 5.0

_NWORKERS = 32
_CHUNK = 56
_CPQ = 7
_NQ = 4
_QROWS = _CHUNK * _CPQ
_BPW = _QROWS * _NQ
_NPAD = _NWORKERS * _BPW

_IB = 3584
_JB = 16


_LASTQ_ROWS = _N - (_NWORKERS - 1) * _BPW - (_NQ - 1) * _QROWS


def _sc_gather(table, idx_padded):
    mesh = plsc.VectorSubcoreMesh(core_axis_name="c", subcore_axis_name="s")

    @functools.partial(
        pl.kernel,
        out_type=jax.ShapeDtypeStruct((_N, _NFEAT), jnp.float32),
        mesh=mesh,
        scratch_types=[
            pltpu.VMEM((_BPW,), jnp.int32),
            pltpu.VMEM_SHARED((100, _NFEAT), jnp.float32),
            pltpu.VMEM((_QROWS, _NFEAT), jnp.float32),
            pltpu.VMEM((_QROWS, _NFEAT), jnp.float32),
            pltpu.SemaphoreType.DMA,
            pltpu.SemaphoreType.DMA,
        ],
    )
    def k(table_hbm, idx_hbm, out_hbm,
          idx_v, tab_v, buf0, buf1, sg, ss):
        wid = lax.axis_index("s") * 2 + lax.axis_index("c")
        base = wid * _BPW

        @pl.when(lax.axis_index("s") == 0)
        def _stage_table():
            pltpu.sync_copy(table_hbm, tab_v)

        pltpu.sync_copy(idx_hbm.at[pl.ds(base, _BPW)], idx_v)
        plsc.subcore_barrier()

        bufs = (buf0, buf1)

        def run_gathers(q, buf):
            gathers = []
            for c in range(_CPQ):
                idx_slice = idx_v.at[pl.ds((q * _CPQ + c) * _CHUNK, _CHUNK)]
                gathers.append(pltpu.async_copy(
                    tab_v.at[idx_slice],
                    buf.at[pl.ds(c * _CHUNK, _CHUNK)], sg))
            for g in gathers:
                g.wait()

        stores = [None, None]
        for q in range(_NQ - 1):
            buf = bufs[q % 2]
            if stores[q % 2] is not None:
                stores[q % 2].wait()
            run_gathers(q, buf)
            stores[q % 2] = pltpu.async_copy(
                buf, out_hbm.at[pl.ds(base + q * _QROWS, _QROWS)], ss)

        qlast = _NQ - 1
        buf = bufs[qlast % 2]
        stores[qlast % 2].wait()
        run_gathers(qlast, buf)
        row_off = base + qlast * _QROWS

        @pl.when(wid < _NWORKERS - 1)
        def _full_store():
            pltpu.async_copy(
                buf, out_hbm.at[pl.ds(row_off, _QROWS)], ss).wait()

        @pl.when(wid == _NWORKERS - 1)
        def _partial_store():
            pltpu.async_copy(
                buf.at[pl.ds(0, _LASTQ_ROWS)],
                out_hbm.at[pl.ds(row_off, _LASTQ_ROWS)], ss).wait()

        stores[0].wait()

    return k(table, idx_padded)


def _norm_rbf_kernel(pos_i_ref, pos_j_ref, gi_ref, out_ref, acc_ref):
    step = pl.program_id(0)

    @pl.when(step == 0)
    def _init():
        acc_ref[0, 0] = jnp.float32(0.0)

    gi0 = gi_ref[0, 0]
    num_sel = jnp.sum((gi_ref[...] == gi0).astype(jnp.int32))
    nblocks = (num_sel + _JB - 1) // _JB
    sel_f = num_sel.astype(jnp.float32)

    ii = (lax.broadcasted_iota(jnp.int32, (1, _IB), 1).astype(jnp.float32)
          + jnp.float32(step * _IB))
    i_sq = ii * ii
    i_ok = ii < jnp.float32(_N)
    pix = pos_i_ref[0:1, :]
    piy = pos_i_ref[1:2, :]
    piz = pos_i_ref[2:3, :]

    def jblock(b, acc):
        j0 = pl.multiple_of(b * _JB, _JB)
        jj = (lax.broadcasted_iota(jnp.int32, (_JB, 1), 0).astype(jnp.float32)
              + j0.astype(jnp.float32))
        pjx = pos_j_ref[pl.ds(j0, _JB), 0:1]
        pjy = pos_j_ref[pl.ds(j0, _JB), 1:2]
        pjz = pos_j_ref[pl.ds(j0, _JB), 2:3]
        dx = pjx - pix
        dy = pjy - piy
        dz = pjz - piz
        d2 = dx * dx + dy * dy + dz * dz
        m = (d2 < jnp.float32(_CUTOFF * _CUTOFF)) \
            & (jj < sel_f) & i_ok
        contrib = jnp.where(m, i_sq + jj * jj + d2, jnp.float32(0.0))
        return acc + jnp.sum(contrib)

    partial = lax.fori_loop(0, nblocks, jblock, jnp.float32(0.0))
    acc_ref[0, 0] += partial

    @pl.when(step == pl.num_programs(0) - 1)
    def _finish():
        norm = jnp.sqrt(acc_ref[0, 0])
        kf = (lax.broadcasted_iota(jnp.int32, (8, _NFEAT), 1)
              .astype(jnp.float32) + 1.0)
        out_ref[...] = jnp.sin(kf * jnp.float32(jnp.pi / _CUTOFF) * norm) / norm


def _tc_norm_rbf(pos_pad, gi_pad):
    pos_t = pos_pad.T
    grid = _NPAD // _IB
    return pl.pallas_call(
        _norm_rbf_kernel,
        grid=(grid,),
        in_specs=[
            pl.BlockSpec((3, _IB), lambda i: (0, i)),
            pl.BlockSpec((_NPAD, 3), lambda i: (0, 0)),
            pl.BlockSpec((1, _NPAD), lambda i: (0, 0)),
        ],
        out_specs=pl.BlockSpec((8, _NFEAT), lambda i: (0, 0)),
        out_shape=jax.ShapeDtypeStruct((8, _NFEAT), jnp.float32),
        scratch_shapes=[pltpu.SMEM((1, 1), jnp.float32)],
    )(pos_t, pos_pad, gi_pad)


def kernel(atoms, atom_positions, graph_indexes, embedding):
    pad = _NPAD - _N
    idx_padded = jnp.concatenate(
        [atoms, jnp.zeros((pad,), jnp.int32)])
    pos_pad = jnp.concatenate(
        [atom_positions, jnp.zeros((pad, 3), jnp.float32)], axis=0)
    gi_pad = jnp.concatenate(
        [graph_indexes, jnp.full((pad,), -1, jnp.int32)]).reshape(1, _NPAD)
    rbf_block = _tc_norm_rbf(pos_pad, gi_pad)
    gathered = _sc_gather(embedding, idx_padded)
    return jnp.concatenate([gathered.reshape(-1), rbf_block[0, :_NRBF]])

# --- scband reference (transcript-rebuilt; emitter-appended) ---
"""Pipeline reference for scband-pai-nn-9191230013851 (READ-ONLY COPY).

The authoritative reference and input builder live on the scoring server;
editing this copy changes nothing except your own understanding.
"""

import jax, jax.numpy as jnp
import numpy as np

NUM_NODES = 50000
NUM_FEATURES = 128
NUM_UNIQUE_ATOMS = 100
NUM_RBF = 20
CUTOFF = 5.0
NUM_MOLECULES = 1000


def setup_inputs(seed: int = 0) -> dict:
    key = jax.random.key(seed)
    k1, k2, k3, k4 = jax.random.split(key, 4)
    atoms = jax.random.randint(k1, (NUM_NODES,), 0, NUM_UNIQUE_ATOMS, dtype=jnp.int32)
    graph_indexes = jnp.sort(jax.random.randint(k2, (NUM_NODES,), 0, NUM_MOLECULES, dtype=jnp.int32))
    atom_positions = jax.random.normal(k3, (NUM_NODES, 3), dtype=jnp.float32)
    embedding = jax.random.normal(k4, (NUM_UNIQUE_ATOMS, NUM_FEATURES), dtype=jnp.float32) * 0.02
    return {"atoms": atoms, "atom_positions": atom_positions, "graph_indexes": graph_indexes, "embedding": embedding}


def _neighbor_norm(atom_positions, graph_indexes, threshold):
    # Faithful (vectorized) translation of calculate_rij, preserving the original
    # bug: molecule_mask uses graph_indexes[0] for every atom i, so every atom is
    # compared against the atoms of the first molecule only. The downstream code
    # only consumes the Frobenius norm of the adjacency [i, j, r_ij], which is
    # sqrt(sum over selected pairs of i^2 + j^2 + ||r_ij||^2); computed here as a
    # fixed-shape masked reduction (chunked over rows to bound memory).
    n = atom_positions.shape[0]
    chunk = 200
    mask0 = graph_indexes == graph_indexes[0]
    j_f = jnp.arange(n, dtype=jnp.float32)
    j_sq = j_f * j_f
    pos_chunks = atom_positions.reshape(n // chunk, chunk, 3)
    i_chunks = j_f.reshape(n // chunk, chunk)

    def body(carry, xs):
        pos_c, i_c = xs
        vec = pos_c[:, None, :] - atom_positions[None, :, :]  # [chunk, N, 3]
        d2 = jnp.sum(vec * vec, axis=2)
        m = (jnp.sqrt(d2) < threshold) & mask0[None, :]
        contrib = jnp.where(m, i_c[:, None] * i_c[:, None] + j_sq[None, :] + d2, 0.0)
        return carry + jnp.sum(contrib), None

    total, _ = jax.lax.scan(body, jnp.float32(0.0), (pos_chunks, i_chunks))
    return jnp.sqrt(total)


def reference(atoms, atom_positions, graph_indexes, embedding):
    # s_i_0 = self.embedding_matrix(atoms)
    s_i_0 = jnp.take(embedding, atoms, axis=0)
    # v_i_0 = zeros (computed but unused before the torch module raises)
    v_i_0 = jnp.zeros((atoms.shape[0], NUM_FEATURES, 3), dtype=jnp.float32)
    # RBF as written in the torch module: Frobenius norm of the WHOLE adjacency
    # matrix (scalar), preserved faithfully.
    norm_r = _neighbor_norm(atom_positions, graph_indexes, CUTOFF)
    rbf = jnp.sin(jnp.arange(1, NUM_RBF + 1, dtype=jnp.float32) * (jnp.pi / CUTOFF) * norm_r) / norm_r
    # The torch forward raises NotImplementedError after this point; we return the
    # last well-defined tensors (node scalar features + rbf) as a single array.
    return jnp.concatenate([s_i_0.reshape(-1), rbf])

if __name__ == "__main__":
    import jax
    _d = setup_inputs()
    print(jax.jit(kernel)(*tuple(_d.values())))

</pallas_src>

<mosaic_0001>
#map = affine_map<(d0, d1) -> (0, 0)>
#map1 = affine_map<(d0, d1) -> (0)>
module attributes {stable_mosaic.version = 14 : i64} {
  func.func @k(%arg0: i32, %arg1: i32, %arg2: memref<100x128xf32, #tpu.memory_space<hbm>>, %arg3: memref<50176xi32, #tpu.memory_space<hbm>>, %arg4: memref<50000x128xf32, #tpu.memory_space<hbm>>, %arg5: memref<1568xi32, #tpu.memory_space<vmem>>, %arg6: memref<100x128xf32, #tpu.memory_space<vmem_shared>>, %arg7: memref<392x128xf32, #tpu.memory_space<vmem>>, %arg8: memref<392x128xf32, #tpu.memory_space<vmem>>, %arg9: memref<!tpu.dma_semaphore, #tpu.memory_space<semaphore_mem>>, %arg10: memref<!tpu.dma_semaphore, #tpu.memory_space<semaphore_mem>>) attributes {dimension_semantics = [#tpu.dimension_semantics<core_parallel>, #tpu.dimension_semantics<subcore_parallel>], iteration_bounds = array<i64: 2, 16>, scalar_prefetch = 0 : i64, scratch_operands = 6 : i64, tpu.core_type = #tpu.core_type<sc_vector_subcore>, window_params = [{transform_indices = #map}, {transform_indices = #map1}, {transform_indices = #map}]} {
    %mul3A = arith.constant 2 : i32
    %mul3A_0 = arith.muli %arg1, %mul3A : i32
    %add3A = arith.addi %mul3A_0, %arg0 : i32
    %mul3A_1 = arith.constant 1568 : i32
    %mul3A_2 = arith.muli %add3A, %mul3A_1 : i32
    %eq3A = arith.constant 0 : i32
    %eq3A_3 = arith.cmpi eq, %arg1, %eq3A : i32
    %convert_element_type3A = arith.extui %eq3A_3 : i1 to i32
    %cond3A = arith.constant 0 : i32
    %cond3A_4 = arith.cmpi ne, %convert_element_type3A, %cond3A : i32
    scf.if %cond3A_4 {
      "tpu.region"() ({
        %run_scoped3A = tpu.sem_alloc : memref<!tpu.dma_semaphore, #tpu.memory_space<semaphore_mem>>
        tpu.enqueue_dma source(%arg2 : memref<100x128xf32, #tpu.memory_space<hbm>>) target(%arg6 : memref<100x128xf32, #tpu.memory_space<vmem_shared>>) target_semaphore(%run_scoped3A : memref<!tpu.dma_semaphore, #tpu.memory_space<semaphore_mem>>)
        tpu.wait_dma2 semaphore(%run_scoped3A : memref<!tpu.dma_semaphore, #tpu.memory_space<semaphore_mem>>) src(%arg2 : memref<100x128xf32, #tpu.memory_space<hbm>>) dst(%arg6 : memref<100x128xf32, #tpu.memory_space<vmem_shared>>)
        tpu.yield
      }) : () -> ()
    } else {
    }
    "tpu.region"() ({
      %run_scoped3A = tpu.sem_alloc : memref<!tpu.dma_semaphore, #tpu.memory_space<semaphore_mem>>
      %dma_start3A_492 = tpu.memref_slice %arg3[%mul3A_2] : memref<50176xi32, #tpu.memory_space<hbm>> -> memref<1568xi32, #tpu.memory_space<hbm>>
      %dma_start3A_493 = tpu.memref_slice %arg3[%mul3A_2] : memref<50176xi32, #tpu.memory_space<hbm>> -> memref<1568xi32, #tpu.memory_space<hbm>>
      tpu.enqueue_dma source(%dma_start3A_493 : memref<1568xi32, #tpu.memory_space<hbm>>) target(%arg5 : memref<1568xi32, #tpu.memory_space<vmem>>) target_semaphore(%run_scoped3A : memref<!tpu.dma_semaphore, #tpu.memory_space<semaphore_mem>>)
      %dma_wait3A_494 = tpu.memref_slice %arg3[%mul3A_2] : memref<50176xi32, #tpu.memory_space<hbm>> -> memref<1568xi32, #tpu.memory_space<hbm>>
      %dma_wait3A_495 = tpu.memref_slice %arg3[%mul3A_2] : memref<50176xi32, #tpu.memory_space<hbm>> -> memref<1568xi32, #tpu.memory_space<hbm>>
      tpu.wait_dma2 semaphore(%run_scoped3A : memref<!tpu.dma_semaphore, #tpu.memory_space<semaphore_mem>>) src(%dma_wait3A_495 : memref<1568xi32, #tpu.memory_space<hbm>>) dst(%arg5 : memref<1568xi32, #tpu.memory_space<vmem>>)
      tpu.yield
    }) : () -> ()
    %barrier3A = arith.constant 0 : index
    tpu.barrier barrier_id(%barrier3A)
    %dma_start3A = arith.constant 0 : i32
    %dma_start3A_5 = arith.constant 0 : i32
    %dma_start3A_6 = tpu.memref_slice %arg7[%dma_start3A, %dma_start3A_5] : memref<392x128xf32, #tpu.memory_space<vmem>> -> memref<56x128xf32, #tpu.memory_space<vmem>>
    %dma_start3A_7 = arith.constant 0 : i32
    %dma_start3A_8 = tpu.memref_slice %arg5[%dma_start3A_7] : memref<1568xi32, #tpu.memory_space<vmem>> -> memref<56xi32, #tpu.memory_space<vmem>>
    %dma_start3A_9 = arith.constant 0 : i32
    %dma_start3A_10 = arith.constant 0 : i32
    %dma_start3A_11 = tpu.memref_slice %arg6[%dma_start3A_9, %dma_start3A_10] : memref<100x128xf32, #tpu.memory_space<vmem_shared>> -> memref<100x128xf32, #tpu.memory_space<vmem_shared>>
    tpu.enqueue_indirect_dma source(%dma_start3A_11 : memref<100x128xf32, #tpu.memory_space<vmem_shared>>) target(%dma_start3A_6 : memref<56x128xf32, #tpu.memory_space<vmem>>) offsets(%dma_start3A_8 : memref<56xi32, #tpu.memory_space<vmem>>) semaphore(%arg9 : memref<!tpu.dma_semaphore, #tpu.memory_space<semaphore_mem>>)
    %dma_start3A_12 = arith.constant 56 : i32
    %dma_start3A_13 = arith.constant 0 : i32
    %dma_start3A_14 = tpu.memref_slice %arg7[%dma_start3A_12, %dma_start3A_13] : memref<392x128xf32, #tpu.memory_space<vmem>> -> memref<56x128xf32, #tpu.memory_space<vmem>>
    %dma_start3A_15 = arith.constant 56 : i32
    %dma_start3A_16 = tpu.memref_slice %arg5[%dma_start3A_15] : memref<1568xi32, #tpu.memory_space<vmem>> -> memref<56xi32, #tpu.memory_space<vmem>>
    %dma_start3A_17 = arith.constant 0 : i32
    %dma_start3A_18 = arith.constant 0 : i32
    %dma_start3A_19 = tpu.memref_slice %arg6[%dma_start3A_17, %dma_start3A_18] : memref<100x128xf32, #tpu.memory_space<vmem_shared>> -> memref<100x128xf32, #tpu.memory_space<vmem_shared>>
    tpu.enqueue_indirect_dma source(%dma_start3A_19 : memref<100x128xf32, #tpu.memory_space<vmem_shared>>) target(%dma_start3A_14 : memref<56x128xf32, #tpu.memory_space<vmem>>) offsets(%dma_start3A_16 : memref<56xi32, #tpu.memory_space<vmem>>) semaphore(%arg9 : memref<!tpu.dma_semaphore, #tpu.memory_space<semaphore_mem>>)
    %dma_start3A_20 = arith.constant 112 : i32
    %dma_start3A_21 = arith.constant 0 : i32
    %dma_start3A_22 = tpu.memref_slice %arg7[%dma_start3A_20, %dma_start3A_21] : memref<392x128xf32, #tpu.memory_space<vmem>> -> memref<56x128xf32, #tpu.memory_space<vmem>>
    %dma_start3A_23 = arith.constant 112 : i32
    %dma_start3A_24 = tpu.memref_slice %arg5[%dma_start3A_23] : memref<1568xi32, #tpu.memory_space<vmem>> -> memref<56xi32, #tpu.memory_space<vmem>>
    %dma_start3A_25 = arith.constant 0 : i32
    %dma_start3A_26 = arith.constant 0 : i32
    %dma_start3A_27 = tpu.memref_slice %arg6[%dma_start3A_25, %dma_start3A_26] : memref<100x128xf32, #tpu.memory_space<vmem_shared>> -> memref<100x128xf32, #tpu.memory_space<vmem_shared>>
    tpu.enqueue_indirect_dma source(%dma_start3A_27 : memref<100x128xf32, #tpu.memory_space<vmem_shared>>) target(%dma_start3A_22 : memref<56x128xf32, #tpu.memory_space<vmem>>) offsets(%dma_start3A_24 : memref<56xi32, #tpu.memory_space<vmem>>) semaphore(%arg9 : memref<!tpu.dma_semaphore, #tpu.memory_space<semaphore_mem>>)
    %dma_start3A_28 = arith.constant 168 : i32
    %dma_start3A_29 = arith.constant 0 : i32
    %dma_start3A_30 = tpu.memref_slice %arg7[%dma_start3A_28, %dma_start3A_29] : memref<392x128xf32, #tpu.memory_space<vmem>> -> memref<56x128xf32, #tpu.memory_space<vmem>>
    %dma_start3A_31 = arith.constant 168 : i32
    %dma_start3A_32 = tpu.memref_slice %arg5[%dma_start3A_31] : memref<1568xi32, #tpu.memory_space<vmem>> -> memref<56xi32, #tpu.memory_space<vmem>>
    %dma_start3A_33 = arith.constant 0 : i32
    %dma_start3A_34 = arith.constant 0 : i32
    %dma_start3A_35 = tpu.memref_slice %arg6[%dma_start3A_33, %dma_start3A_34] : memref<100x128xf32, #tpu.memory_space<vmem_shared>> -> memref<100x128xf32, #tpu.memory_space<vmem_shared>>
    tpu.enqueue_indirect_dma source(%dma_start3A_35 : memref<100x128xf32, #tpu.memory_space<vmem_shared>>) target(%dma_start3A_30 : memref<56x128xf32, #tpu.memory_space<vmem>>) offsets(%dma_start3A_32 : memref<56xi32, #tpu.memory_space<vmem>>) semaphore(%arg9 : memref<!tpu.dma_semaphore, #tpu.memory_space<semaphore_mem>>)
    %dma_start3A_36 = arith.constant 224 : i32
    %dma_start3A_37 = arith.constant 0 : i32
    %dma_start3A_38 = tpu.memref_slice %arg7[%dma_start3A_36, %dma_start3A_37] : memref<392x128xf32, #tpu.memory_space<vmem>> -> memref<56x128xf32, #tpu.memory_space<vmem>>
    %dma_start3A_39 = arith.constant 224 : i32
    %dma_start3A_40 = tpu.memref_slice %arg5[%dma_start3A_39] : memref<1568xi32, #tpu.memory_space<vmem>> -> memref<56xi32, #tpu.memory_space<vmem>>
    %dma_start3A_41 = arith.constant 0 : i32
    %dma_start3A_42 = arith.constant 0 : i32
    %dma_start3A_43 = tpu.memref_slice %arg6[%dma_start3A_41, %dma_start3A_42] : memref<100x128xf32, #tpu.memory_space<vmem_shared>> -> memref<100x128xf32, #tpu.memory_space<vmem_shared>>
    tpu.enqueue_indirect_dma source(%dma_start3A_43 : memref<100x128xf32, #tpu.memory_space<vmem_shared>>) target(%dma_start3A_38 : memref<56x128xf32, #tpu.memory_space<vmem>>) offsets(%dma_start3A_40 : memref<56xi32, #tpu.memory_space<vmem>>) semaphore(%arg9 : memref<!tpu.dma_semaphore, #tpu.memory_space<semaphore_mem>>)
    %dma_start3A_44 = arith.constant 280 : i32
    %dma_start3A_45 = arith.constant 0 : i32
    %dma_start3A_46 = tpu.memref_slice %arg7[%dma_start3A_44, %dma_start3A_45] : memref<392x128xf32, #tpu.memory_space<vmem>> -> memref<56x128xf32, #tpu.memory_space<vmem>>
    %dma_start3A_47 = arith.constant 280 : i32
    %dma_start3A_48 = tpu.memref_slice %arg5[%dma_start3A_47] : memref<1568xi32, #tpu.memory_space<vmem>> -> memref<56xi32, #tpu.memory_space<vmem>>
    %dma_start3A_49 = arith.constant 0 : i32
    %dma_start3A_50 = arith.constant 0 : i32
    %dma_start3A_51 = tpu.memref_slice %arg6[%dma_start3A_49, %dma_start3A_50] : memref<100x128xf32, #tpu.memory_space<vmem_shared>> -> memref<100x128xf32, #tpu.memory_space<vmem_shared>>
    tpu.enqueue_indirect_dma source(%dma_start3A_51 : memref<100x128xf32, #tpu.memory_space<vmem_shared>>) target(%dma_start3A_46 : memref<56x128xf32, #tpu.memory_space<vmem>>) offsets(%dma_start3A_48 : memref<56xi32, #tpu.memory_space<vmem>>) semaphore(%arg9 : memref<!tpu.dma_semaphore, #tpu.memory_space<semaphore_mem>>)
    %dma_start3A_52 = arith.constant 336 : i32
    %dma_start3A_53 = arith.constant 0 : i32
    %dma_start3A_54 = tpu.memref_slice %arg7[%dma_start3A_52, %dma_start3A_53] : memref<392x128xf32, #tpu.memory_space<vmem>> -> memref<56x128xf32, #tpu.memory_space<vmem>>
    %dma_start3A_55 = arith.constant 336 : i32
    %dma_start3A_56 = tpu.memref_slice %arg5[%dma_start3A_55] : memref<1568xi32, #tpu.memory_space<vmem>> -> memref<56xi32, #tpu.memory_space<vmem>>
    %dma_start3A_57 = arith.constant 0 : i32
    %dma_start3A_58 = arith.constant 0 : i32
    %dma_start3A_59 = tpu.memref_slice %arg6[%dma_start3A_57, %dma_start3A_58] : memref<100x128xf32, #tpu.memory_space<vmem_shared>> -> memref<100x128xf32, #tpu.memory_space<vmem_shared>>
    tpu.enqueue_indirect_dma source(%dma_start3A_59 : memref<100x128xf32, #tpu.memory_space<vmem_shared>>) target(%dma_start3A_54 : memref<56x128xf32, #tpu.memory_space<vmem>>) offsets(%dma_start3A_56 : memref<56xi32, #tpu.memory_space<vmem>>) semaphore(%arg9 : memref<!tpu.dma_semaphore, #tpu.memory_space<semaphore_mem>>)
    %dma_wait3A = arith.constant 0 : i32
    %dma_wait3A_60 = arith.constant 0 : i32
    %dma_wait3A_61 = tpu.memref_slice %arg7[%dma_wait3A, %dma_wait3A_60] : memref<392x128xf32, #tpu.memory_space<vmem>> -> memref<56x128xf32, #tpu.memory_space<vmem>>
    %dma_wait3A_62 = arith.constant 0 : i32
    %dma_wait3A_63 = tpu.memref_slice %arg5[%dma_wait3A_62] : memref<1568xi32, #tpu.memory_space<vmem>> -> memref<56xi32, #tpu.memory_space<vmem>>
    %dma_wait3A_64 = arith.constant 0 : i32
    %dma_wait3A_65 = arith.constant 0 : i32
    %dma_wait3A_66 = tpu.memref_slice %arg6[%dma_wait3A_64, %dma_wait3A_65] : memref<100x128xf32, #tpu.memory_space<vmem_shared>> -> memref<100x128xf32, #tpu.memory_space<vmem_shared>>
    tpu.wait_indirect_dma semaphore(%arg9 : memref<!tpu.dma_semaphore, #tpu.memory_space<semaphore_mem>>) src(%dma_wait3A_66 : memref<100x128xf32, #tpu.memory_space<vmem_shared>>) dst(%dma_wait3A_61 : memref<56x128xf32, #tpu.memory_space<vmem>>)
    %dma_wait3A_67 = arith.constant 56 : i32
    %dma_wait3A_68 = arith.constant 0 : i32
    %dma_wait3A_69 = tpu.memref_slice %arg7[%dma_wait3A_67, %dma_wait3A_68] : memref<392x128xf32, #tpu.memory_space<vmem>> -> memref<56x128xf32, #tpu.memory_space<vmem>>
    %dma_wait3A_70 = arith.constant 56 : i32
    %dma_wait3A_71 = tpu.memref_slice %arg5[%dma_wait3A_70] : memref<1568xi32, #tpu.memory_space<vmem>> -> memref<56xi32, #tpu.memory_space<vmem>>
    %dma_wait3A_72 = arith.constant 0 : i32
    %dma_wait3A_73 = arith.constant 0 : i32
    %dma_wait3A_74 = tpu.memref_slice %arg6[%dma_wait3A_72, %dma_wait3A_73] : memref<100x128xf32, #tpu.memory_space<vmem_shared>> -> memref<100x128xf32, #tpu.memory_space<vmem_shared>>
    tpu.wait_indirect_dma semaphore(%arg9 : memref<!tpu.dma_semaphore, #tpu.memory_space<semaphore_mem>>) src(%dma_wait3A_74 : memref<100x128xf32, #tpu.memory_space<vmem_shared>>) dst(%dma_wait3A_69 : memref<56x128xf32, #tpu.memory_space<vmem>>)
    %dma_wait3A_75 = arith.constant 112 : i32
    %dma_wait3A_76 = arith.constant 0 : i32
    %dma_wait3A_77 = tpu.memref_slice %arg7[%dma_wait3A_75, %dma_wait3A_76] : memref<392x128xf32, #tpu.memory_space<vmem>> -> memref<56x128xf32, #tpu.memory_space<vmem>>
    %dma_wait3A_78 = arith.constant 112 : i32
    %dma_wait3A_79 = tpu.memref_slice %arg5[%dma_wait3A_78] : memref<1568xi32, #tpu.memory_space<vmem>> -> memref<56xi32, #tpu.memory_space<vmem>>
    %dma_wait3A_80 = arith.constant 0 : i32
    %dma_wait3A_81 = arith.constant 0 : i32
    %dma_wait3A_82 = tpu.memref_slice %arg6[%dma_wait3A_80, %dma_wait3A_81] : memref<100x128xf32, #tpu.memory_space<vmem_shared>> -> memref<100x128xf32, #tpu.memory_space<vmem_shared>>
    tpu.wait_indirect_dma semaphore(%arg9 : memref<!tpu.dma_semaphore, #tpu.memory_space<semaphore_mem>>) src(%dma_wait3A_82 : memref<100x128xf32, #tpu.memory_space<vmem_shared>>) dst(%dma_wait3A_77 : memref<56x128xf32, #tpu.memory_space<vmem>>)
    %dma_wait3A_83 = arith.constant 168 : i32
    %dma_wait3A_84 = arith.constant 0 : i32
    %dma_wait3A_85 = tpu.memref_slice %arg7[%dma_wait3A_83, %dma_wait3A_84] : memref<392x128xf32, #tpu.memory_space<vmem>> -> memref<56x128xf32, #tpu.memory_space<vmem>>
    %dma_wait3A_86 = arith.constant 168 : i32
    %dma_wait3A_87 = tpu.memref_slice %arg5[%dma_wait3A_86] : memref<1568xi32, #tpu.memory_space<vmem>> -> memref<56xi32, #tpu.memory_space<vmem>>
    %dma_wait3A_88 = arith.constant 0 : i32
    %dma_wait3A_89 = arith.constant 0 : i32
    %dma_wait3A_90 = tpu.memref_slice %arg6[%dma_wait3A_88, %dma_wait3A_89] : memref<100x128xf32, #tpu.memory_space<vmem_shared>> -> memref<100x128xf32, #tpu.memory_space<vmem_shared>>
    tpu.wait_indirect_dma semaphore(%arg9 : memref<!tpu.dma_semaphore, #tpu.memory_space<semaphore_mem>>) src(%dma_wait3A_90 : memref<100x128xf32, #tpu.memory_space<vmem_shared>>) dst(%dma_wait3A_85 : memref<56x128xf32, #tpu.memory_space<vmem>>)
    %dma_wait3A_91 = arith.constant 224 : i32
    %dma_wait3A_92 = arith.constant 0 : i32
    %dma_wait3A_93 = tpu.memref_slice %arg7[%dma_wait3A_91, %dma_wait3A_92] : memref<392x128xf32, #tpu.memory_space<vmem>> -> memref<56x128xf32, #tpu.memory_space<vmem>>
    %dma_wait3A_94 = arith.constant 224 : i32
    %dma_wait3A_95 = tpu.memref_slice %arg5[%dma_wait3A_94] : memref<1568xi32, #tpu.memory_space<vmem>> -> memref<56xi32, #tpu.memory_space<vmem>>
    %dma_wait3A_96 = arith.constant 0 : i32
    %dma_wait3A_97 = arith.constant 0 : i32
    %dma_wait3A_98 = tpu.memref_slice %arg6[%dma_wait3A_96, %dma_wait3A_97] : memref<100x128xf32, #tpu.memory_space<vmem_shared>> -> memref<100x128xf32, #tpu.memory_space<vmem_shared>>
    tpu.wait_indirect_dma semaphore(%arg9 : memref<!tpu.dma_semaphore, #tpu.memory_space<semaphore_mem>>) src(%dma_wait3A_98 : memref<100x128xf32, #tpu.memory_space<vmem_shared>>) dst(%dma_wait3A_93 : memref<56x128xf32, #tpu.memory_space<vmem>>)
    %dma_wait3A_99 = arith.constant 280 : i32
    %dma_wait3A_100 = arith.constant 0 : i32
    %dma_wait3A_101 = tpu.memref_slice %arg7[%dma_wait3A_99, %dma_wait3A_100] : memref<392x128xf32, #tpu.memory_space<vmem>> -> memref<56x128xf32, #tpu.memory_space<vmem>>
    %dma_wait3A_102 = arith.constant 280 : i32
    %dma_wait3A_103 = tpu.memref_slice %arg5[%dma_wait3A_102] : memref<1568xi32, #tpu.memory_space<vmem>> -> memref<56xi32, #tpu.memory_space<vmem>>
    %dma_wait3A_104 = arith.constant 0 : i32
    %dma_wait3A_105 = arith.constant 0 : i32
    %dma_wait3A_106 = tpu.memref_slice %arg6[%dma_wait3A_104, %dma_wait3A_105] : memref<100x128xf32, #tpu.memory_space<vmem_shared>> -> memref<100x128xf32, #tpu.memory_space<vmem_shared>>
    tpu.wait_indirect_dma semaphore(%arg9 : memref<!tpu.dma_semaphore, #tpu.memory_space<semaphore_mem>>) src(%dma_wait3A_106 : memref<100x128xf32, #tpu.memory_space<vmem_shared>>) dst(%dma_wait3A_101 : memref<56x128xf32, #tpu.memory_space<vmem>>)
    %dma_wait3A_107 = arith.constant 336 : i32
    %dma_wait3A_108 = arith.constant 0 : i32
    %dma_wait3A_109 = tpu.memref_slice %arg7[%dma_wait3A_107, %dma_wait3A_108] : memref<392x128xf32, #tpu.memory_space<vmem>> -> memref<56x128xf32, #tpu.memory_space<vmem>>
    %dma_wait3A_110 = arith.constant 336 : i32
    %dma_wait3A_111 = tpu.memref_slice %arg5[%dma_wait3A_110] : memref<1568xi32, #tpu.memory_space<vmem>> -> memref<56xi32, #tpu.memory_space<vmem>>
    %dma_wait3A_112 = arith.constant 0 : i32
    %dma_wait3A_113 = arith.constant 0 : i32
    %dma_wait3A_114 = tpu.memref_slice %arg6[%dma_wait3A_112, %dma_wait3A_113] : memref<100x128xf32, #tpu.memory_space<vmem_shared>> -> memref<100x128xf32, #tpu.memory_space<vmem_shared>>
    tpu.wait_indirect_dma semaphore(%arg9 : memref<!tpu.dma_semaphore, #tpu.memory_space<semaphore_mem>>) src(%dma_wait3A_114 : memref<100x128xf32, #tpu.memory_space<vmem_shared>>) dst(%dma_wait3A_109 : memref<56x128xf32, #tpu.memory_space<vmem>>)
    %add3A_115 = arith.constant 0 : i32
    %add3A_116 = arith.addi %mul3A_2, %add3A_115 : i32
    %dma_start3A_117 = arith.constant 0 : i32
    %dma_start3A_118 = tpu.memref_slice %arg4[%add3A_116, %dma_start3A_117] : memref<50000x128xf32, #tpu.memory_space<hbm>> -> memref<392x128xf32, #tpu.memory_space<hbm>>
    %dma_start3A_119 = arith.constant 0 : i32
    %dma_start3A_120 = tpu.memref_slice %arg4[%add3A_116, %dma_start3A_119] : memref<50000x128xf32, #tpu.memory_space<hbm>> -> memref<392x128xf32, #tpu.memory_space<hbm>>
    tpu.enqueue_dma source(%arg7 : memref<392x128xf32, #tpu.memory_space<vmem>>) target(%dma_start3A_120 : memref<392x128xf32, #tpu.memory_space<hbm>>) target_semaphore(%arg10 : memref<!tpu.dma_semaphore, #tpu.memory_space<semaphore_mem>>)
    %dma_start3A_121 = arith.constant 0 : i32
    %dma_start3A_122 = arith.constant 0 : i32
    %dma_start3A_123 = tpu.memref_slice %arg8[%dma_start3A_121, %dma_start3A_122] : memref<392x128xf32, #tpu.memory_space<vmem>> -> memref<56x128xf32, #tpu.memory_space<vmem>>
    %dma_start3A_124 = arith.constant 392 : i32
    %dma_start3A_125 = tpu.memref_slice %arg5[%dma_start3A_124] : memref<1568xi32, #tpu.memory_space<vmem>> -> memref<56xi32, #tpu.memory_space<vmem>>
    %dma_start3A_126 = arith.constant 0 : i32
    %dma_start3A_127 = arith.constant 0 : i32
    %dma_start3A_128 = tpu.memref_slice %arg6[%dma_start3A_126, %dma_start3A_127] : memref<100x128xf32, #tpu.memory_space<vmem_shared>> -> memref<100x128xf32, #tpu.memory_space<vmem_shared>>
    tpu.enqueue_indirect_dma source(%dma_start3A_128 : memref<100x128xf32, #tpu.memory_space<vmem_shared>>) target(%dma_start3A_123 : memref<56x128xf32, #tpu.memory_space<vmem>>) offsets(%dma_start3A_125 : memref<56xi32, #tpu.memory_space<vmem>>) semaphore(%arg9 : memref<!tpu.dma_semaphore, #tpu.memory_space<semaphore_mem>>)
    %dma_start3A_129 = arith.constant 56 : i32
    %dma_start3A_130 = arith.constant 0 : i32
    %dma_start3A_131 = tpu.memref_slice %arg8[%dma_start3A_129, %dma_start3A_130] : memref<392x128xf32, #tpu.memory_space<vmem>> -> memref<56x128xf32, #tpu.memory_space<vmem>>
    %dma_start3A_132 = arith.constant 448 : i32
    %dma_start3A_133 = tpu.memref_slice %arg5[%dma_start3A_132] : memref<1568xi32, #tpu.memory_space<vmem>> -> memref<56xi32, #tpu.memory_space<vmem>>
    %dma_start3A_134 = arith.constant 0 : i32
    %dma_start3A_135 = arith.constant 0 : i32
    %dma_start3A_136 = tpu.memref_slice %arg6[%dma_start3A_134, %dma_start3A_135] : memref<100x128xf32, #tpu.memory_space<vmem_shared>> -> memref<100x128xf32, #tpu.memory_space<vmem_shared>>
    tpu.enqueue_indirect_dma source(%dma_start3A_136 : memref<100x128xf32, #tpu.memory_space<vmem_shared>>) target(%dma_start3A_131 : memref<56x128xf32, #tpu.memory_space<vmem>>) offsets(%dma_start3A_133 : memref<56xi32, #tpu.memory_space<vmem>>) semaphore(%arg9 : memref<!tpu.dma_semaphore, #tpu.memory_space<semaphore_mem>>)
    %dma_start3A_137 = arith.constant 112 : i32
    %dma_start3A_138 = arith.constant 0 : i32
    %dma_start3A_139 = tpu.memref_slice %arg8[%dma_start3A_137, %dma_start3A_138] : memref<392x128xf32, #tpu.memory_space<vmem>> -> memref<56x128xf32, #tpu.memory_space<vmem>>
    %dma_start3A_140 = arith.constant 504 : i32
    %dma_start3A_141 = tpu.memref_slice %arg5[%dma_start3A_140] : memref<1568xi32, #tpu.memory_space<vmem>> -> memref<56xi32, #tpu.memory_space<vmem>>
    %dma_start3A_142 = arith.constant 0 : i32
    %dma_start3A_143 = arith.constant 0 : i32
    %dma_start3A_144 = tpu.memref_slice %arg6[%dma_start3A_142, %dma_start3A_143] : memref<100x128xf32, #tpu.memory_space<vmem_shared>> -> memref<100x128xf32, #tpu.memory_space<vmem_shared>>
    tpu.enqueue_indirect_dma source(%dma_start3A_144 : memref<100x128xf32, #tpu.memory_space<vmem_shared>>) target(%dma_start3A_139 : memref<56x128xf32, #tpu.memory_space<vmem>>) offsets(%dma_start3A_141 : memref<56xi32, #tpu.memory_space<vmem>>) semaphore(%arg9 : memref<!tpu.dma_semaphore, #tpu.memory_space<semaphore_mem>>)
    %dma_start3A_145 = arith.constant 168 : i32
    %dma_start3A_146 = arith.constant 0 : i32
    %dma_start3A_147 = tpu.memref_slice %arg8[%dma_start3A_145, %dma_start3A_146] : memref<392x128xf32, #tpu.memory_space<vmem>> -> memref<56x128xf32, #tpu.memory_space<vmem>>
    %dma_start3A_148 = arith.constant 560 : i32
    %dma_start3A_149 = tpu.memref_slice %arg5[%dma_start3A_148] : memref<1568xi32, #tpu.memory_space<vmem>> -> memref<56xi32, #tpu.memory_space<vmem>>
    %dma_start3A_150 = arith.constant 0 : i32
    %dma_start3A_151 = arith.constant 0 : i32
    %dma_start3A_152 = tpu.memref_slice %arg6[%dma_start3A_150, %dma_start3A_151] : memref<100x128xf32, #tpu.memory_space<vmem_shared>> -> memref<100x128xf32, #tpu.memory_space<vmem_shared>>
    tpu.enqueue_indirect_dma source(%dma_start3A_152 : memref<100x128xf32, #tpu.memory_space<vmem_shared>>) target(%dma_start3A_147 : memref<56x128xf32, #tpu.memory_space<vmem>>) offsets(%dma_start3A_149 : memref<56xi32, #tpu.memory_space<vmem>>) semaphore(%arg9 : memref<!tpu.dma_semaphore, #tpu.memory_space<semaphore_mem>>)
    %dma_start3A_153 = arith.constant 224 : i32
    %dma_start3A_154 = arith.constant 0 : i32
    %dma_start3A_155 = tpu.memref_slice %arg8[%dma_start3A_153, %dma_start3A_154] : memref<392x128xf32, #tpu.memory_space<vmem>> -> memref<56x128xf32, #tpu.memory_space<vmem>>
    %dma_start3A_156 = arith.constant 616 : i32
    %dma_start3A_157 = tpu.memref_slice %arg5[%dma_start3A_156] : memref<1568xi32, #tpu.memory_space<vmem>> -> memref<56xi32, #tpu.memory_space<vmem>>
    %dma_start3A_158 = arith.constant 0 : i32
    %dma_start3A_159 = arith.constant 0 : i32
    %dma_start3A_160 = tpu.memref_slice %arg6[%dma_start3A_158, %dma_start3A_159] : memref<100x128xf32, #tpu.memory_space<vmem_shared>> -> memref<100x128xf32, #tpu.memory_space<vmem_shared>>
    tpu.enqueue_indirect_dma source(%dma_start3A_160 : memref<100x128xf32, #tpu.memory_space<vmem_shared>>) target(%dma_start3A_155 : memref<56x128xf32, #tpu.memory_space<vmem>>) offsets(%dma_start3A_157 : memref<56xi32, #tpu.memory_space<vmem>>) semaphore(%arg9 : memref<!tpu.dma_semaphore, #tpu.memory_space<semaphore_mem>>)
    %dma_start3A_161 = arith.constant 280 : i32
    %dma_start3A_162 = arith.constant 0 : i32
    %dma_start3A_163 = tpu.memref_slice %arg8[%dma_start3A_161, %dma_start3A_162] : memref<392x128xf32, #tpu.memory_space<vmem>> -> memref<56x128xf32, #tpu.memory_space<vmem>>
    %dma_start3A_164 = arith.constant 672 : i32
    %dma_start3A_165 = tpu.memref_slice %arg5[%dma_start3A_164] : memref<1568xi32, #tpu.memory_space<vmem>> -> memref<56xi32, #tpu.memory_space<vmem>>
    %dma_start3A_166 = arith.constant 0 : i32
    %dma_start3A_167 = arith.constant 0 : i32
    %dma_start3A_168 = tpu.memref_slice %arg6[%dma_start3A_166, %dma_start3A_167] : memref<100x128xf32, #tpu.memory_space<vmem_shared>> -> memref<100x128xf32, #tpu.memory_space<vmem_shared>>
    tpu.enqueue_indirect_dma source(%dma_start3A_168 : memref<100x128xf32, #tpu.memory_space<vmem_shared>>) target(%dma_start3A_163 : memref<56x128xf32, #tpu.memory_space<vmem>>) offsets(%dma_start3A_165 : memref<56xi32, #tpu.memory_space<vmem>>) semaphore(%arg9 : memref<!tpu.dma_semaphore, #tpu.memory_space<semaphore_mem>>)
    %dma_start3A_169 = arith.constant 336 : i32
    %dma_start3A_170 = arith.constant 0 : i32
    %dma_start3A_171 = tpu.memref_slice %arg8[%dma_start3A_169, %dma_start3A_170] : memref<392x128xf32, #tpu.memory_space<vmem>> -> memref<56x128xf32, #tpu.memory_space<vmem>>
    %dma_start3A_172 = arith.constant 728 : i32
    %dma_start3A_173 = tpu.memref_slice %arg5[%dma_start3A_172] : memref<1568xi32, #tpu.memory_space<vmem>> -> memref<56xi32, #tpu.memory_space<vmem>>
    %dma_start3A_174 = arith.constant 0 : i32
    %dma_start3A_175 = arith.constant 0 : i32
    %dma_start3A_176 = tpu.memref_slice %arg6[%dma_start3A_174, %dma_start3A_175] : memref<100x128xf32, #tpu.memory_space<vmem_shared>> -> memref<100x128xf32, #tpu.memory_space<vmem_shared>>
    tpu.enqueue_indirect_dma source(%dma_start3A_176 : memref<100x128xf32, #tpu.memory_space<vmem_shared>>) target(%dma_start3A_171 : memref<56x128xf32, #tpu.memory_space<vmem>>) offsets(%dma_start3A_173 : memref<56xi32, #tpu.memory_space<vmem>>) semaphore(%arg9 : memref<!tpu.dma_semaphore, #tpu.memory_space<semaphore_mem>>)
    %dma_wait3A_177 = arith.constant 0 : i32
    %dma_wait3A_178 = arith.constant 0 : i32
    %dma_wait3A_179 = tpu.memref_slice %arg8[%dma_wait3A_177, %dma_wait3A_178] : memref<392x128xf32, #tpu.memory_space<vmem>> -> memref<56x128xf32, #tpu.memory_space<vmem>>
    %dma_wait3A_180 = arith.constant 392 : i32
    %dma_wait3A_181 = tpu.memref_slice %arg5[%dma_wait3A_180] : memref<1568xi32, #tpu.memory_space<vmem>> -> memref<56xi32, #tpu.memory_space<vmem>>
    %dma_wait3A_182 = arith.constant 0 : i32
    %dma_wait3A_183 = arith.constant 0 : i32
    %dma_wait3A_184 = tpu.memref_slice %arg6[%dma_wait3A_182, %dma_wait3A_183] : memref<100x128xf32, #tpu.memory_space<vmem_shared>> -> memref<100x128xf32, #tpu.memory_space<vmem_shared>>
    tpu.wait_indirect_dma semaphore(%arg9 : memref<!tpu.dma_semaphore, #tpu.memory_space<semaphore_mem>>) src(%dma_wait3A_184 : memref<100x128xf32, #tpu.memory_space<vmem_shared>>) dst(%dma_wait3A_179 : memref<56x128xf32, #tpu.memory_space<vmem>>)
    %dma_wait3A_185 = arith.constant 56 : i32
    %dma_wait3A_186 = arith.constant 0 : i32
    %dma_wait3A_187 = tpu.memref_slice %arg8[%dma_wait3A_185, %dma_wait3A_186] : memref<392x128xf32, #tpu.memory_space<vmem>> -> memref<56x128xf32, #tpu.memory_space<vmem>>
    %dma_wait3A_188 = arith.constant 448 : i32
    %dma_wait3A_189 = tpu.memref_slice %arg5[%dma_wait3A_188] : memref<1568xi32, #tpu.memory_space<vmem>> -> memref<56xi32, #tpu.memory_space<vmem>>
    %dma_wait3A_190 = arith.constant 0 : i32
    %dma_wait3A_191 = arith.constant 0 : i32
    %dma_wait3A_192 = tpu.memref_slice %arg6[%dma_wait3A_190, %dma_wait3A_191] : memref<100x128xf32, #tpu.memory_space<vmem_shared>> -> memref<100x128xf32, #tpu.memory_space<vmem_shared>>
    tpu.wait_indirect_dma semaphore(%arg9 : memref<!tpu.dma_semaphore, #tpu.memory_space<semaphore_mem>>) src(%dma_wait3A_192 : memref<100x128xf32, #tpu.memory_space<vmem_shared>>) dst(%dma_wait3A_187 : memref<56x128xf32, #tpu.memory_space<vmem>>)
    %dma_wait3A_193 = arith.constant 112 : i32
    %dma_wait3A_194 = arith.constant 0 : i32
    %dma_wait3A_195 = tpu.memref_slice %arg8[%dma_wait3A_193, %dma_wait3A_194] : memref<392x128xf32, #tpu.memory_space<vmem>> -> memref<56x128xf32, #tpu.memory_space<vmem>>
    %dma_wait3A_196 = arith.constant 504 : i32
    %dma_wait3A_197 = tpu.memref_slice %arg5[%dma_wait3A_196] : memref<1568xi32, #tpu.memory_space<vmem>> -> memref<56xi32, #tpu.memory_space<vmem>>
    %dma_wait3A_198 = arith.constant 0 : i32
    %dma_wait3A_199 = arith.constant 0 : i32
    %dma_wait3A_200 = tpu.memref_slice %arg6[%dma_wait3A_198, %dma_wait3A_199] : memref<100x128xf32, #tpu.memory_space<vmem_shared>> -> memref<100x128xf32, #tpu.memory_space<vmem_shared>>
    tpu.wait_indirect_dma semaphore(%arg9 : memref<!tpu.dma_semaphore, #tpu.memory_space<semaphore_mem>>) src(%dma_wait3A_200 : memref<100x128xf32, #tpu.memory_space<vmem_shared>>) dst(%dma_wait3A_195 : memref<56x128xf32, #tpu.memory_space<vmem>>)
    %dma_wait3A_201 = arith.constant 168 : i32
    %dma_wait3A_202 = arith.constant 0 : i32
    %dma_wait3A_203 = tpu.memref_slice %arg8[%dma_wait3A_201, %dma_wait3A_202] : memref<392x128xf32, #tpu.memory_space<vmem>> -> memref<56x128xf32, #tpu.memory_space<vmem>>
    %dma_wait3A_204 = arith.constant 560 : i32
    %dma_wait3A_205 = tpu.memref_slice %arg5[%dma_wait3A_204] : memref<1568xi32, #tpu.memory_space<vmem>> -> memref<56xi32, #tpu.memory_space<vmem>>
    %dma_wait3A_206 = arith.constant 0 : i32
    %dma_wait3A_207 = arith.constant 0 : i32
    %dma_wait3A_208 = tpu.memref_slice %arg6[%dma_wait3A_206, %dma_wait3A_207] : memref<100x128xf32, #tpu.memory_space<vmem_shared>> -> memref<100x128xf32, #tpu.memory_space<vmem_shared>>
    tpu.wait_indirect_dma semaphore(%arg9 : memref<!tpu.dma_semaphore, #tpu.memory_space<semaphore_mem>>) src(%dma_wait3A_208 : memref<100x128xf32, #tpu.memory_space<vmem_shared>>) dst(%dma_wait3A_203 : memref<56x128xf32, #tpu.memory_space<vmem>>)
    %dma_wait3A_209 = arith.constant 224 : i32
    %dma_wait3A_210 = arith.constant 0 : i32
    %dma_wait3A_211 = tpu.memref_slice %arg8[%dma_wait3A_209, %dma_wait3A_210] : memref<392x128xf32, #tpu.memory_space<vmem>> -> memref<56x128xf32, #tpu.memory_space<vmem>>
    %dma_wait3A_212 = arith.constant 616 : i32
    %dma_wait3A_213 = tpu.memref_slice %arg5[%dma_wait3A_212] : memref<1568xi32, #tpu.memory_space<vmem>> -> memref<56xi32, #tpu.memory_space<vmem>>
    %dma_wait3A_214 = arith.constant 0 : i32
    %dma_wait3A_215 = arith.constant 0 : i32
    %dma_wait3A_216 = tpu.memref_slice %arg6[%dma_wait3A_214, %dma_wait3A_215] : memref<100x128xf32, #tpu.memory_space<vmem_shared>> -> memref<100x128xf32, #tpu.memory_space<vmem_shared>>
    tpu.wait_indirect_dma semaphore(%arg9 : memref<!tpu.dma_semaphore, #tpu.memory_space<semaphore_mem>>) src(%dma_wait3A_216 : memref<100x128xf32, #tpu.memory_space<vmem_shared>>) dst(%dma_wait3A_211 : memref<56x128xf32, #tpu.memory_space<vmem>>)
    %dma_wait3A_217 = arith.constant 280 : i32
    %dma_wait3A_218 = arith.constant 0 : i32
    %dma_wait3A_219 = tpu.memref_slice %arg8[%dma_wait3A_217, %dma_wait3A_218] : memref<392x128xf32, #tpu.memory_space<vmem>> -> memref<56x128xf32, #tpu.memory_space<vmem>>
    %dma_wait3A_220 = arith.constant 672 : i32
    %dma_wait3A_221 = tpu.memref_slice %arg5[%dma_wait3A_220] : memref<1568xi32, #tpu.memory_space<vmem>> -> memref<56xi32, #tpu.memory_space<vmem>>
    %dma_wait3A_222 = arith.constant 0 : i32
    %dma_wait3A_223 = arith.constant 0 : i32
    %dma_wait3A_224 = tpu.memref_slice %arg6[%dma_wait3A_222, %dma_wait3A_223] : memref<100x128xf32, #tpu.memory_space<vmem_shared>> -> memref<100x128xf32, #tpu.memory_space<vmem_shared>>
    tpu.wait_indirect_dma semaphore(%arg9 : memref<!tpu.dma_semaphore, #tpu.memory_space<semaphore_mem>>) src(%dma_wait3A_224 : memref<100x128xf32, #tpu.memory_space<vmem_shared>>) dst(%dma_wait3A_219 : memref<56x128xf32, #tpu.memory_space<vmem>>)
    %dma_wait3A_225 = arith.constant 336 : i32
    %dma_wait3A_226 = arith.constant 0 : i32
    %dma_wait3A_227 = tpu.memref_slice %arg8[%dma_wait3A_225, %dma_wait3A_226] : memref<392x128xf32, #tpu.memory_space<vmem>> -> memref<56x128xf32, #tpu.memory_space<vmem>>
    %dma_wait3A_228 = arith.constant 728 : i32
    %dma_wait3A_229 = tpu.memref_slice %arg5[%dma_wait3A_228] : memref<1568xi32, #tpu.memory_space<vmem>> -> memref<56xi32, #tpu.memory_space<vmem>>
    %dma_wait3A_230 = arith.constant 0 : i32
    %dma_wait3A_231 = arith.constant 0 : i32
    %dma_wait3A_232 = tpu.memref_slice %arg6[%dma_wait3A_230, %dma_wait3A_231] : memref<100x128xf32, #tpu.memory_space<vmem_shared>> -> memref<100x128xf32, #tpu.memory_space<vmem_shared>>
    tpu.wait_indirect_dma semaphore(%arg9 : memref<!tpu.dma_semaphore, #tpu.memory_space<semaphore_mem>>) src(%dma_wait3A_232 : memref<100x128xf32, #tpu.memory_space<vmem_shared>>) dst(%dma_wait3A_227 : memref<56x128xf32, #tpu.memory_space<vmem>>)
    %add3A_233 = arith.constant 392 : i32
    %add3A_234 = arith.addi %mul3A_2, %add3A_233 : i32
    %dma_start3A_235 = arith.constant 0 : i32
    %dma_start3A_236 = tpu.memref_slice %arg4[%add3A_234, %dma_start3A_235] : memref<50000x128xf32, #tpu.memory_space<hbm>> -> memref<392x128xf32, #tpu.memory_space<hbm>>
    %dma_start3A_237 = arith.constant 0 : i32
    %dma_start3A_238 = tpu.memref_slice %arg4[%add3A_234, %dma_start3A_237] : memref<50000x128xf32, #tpu.memory_space<hbm>> -> memref<392x128xf32, #tpu.memory_space<hbm>>
    tpu.enqueue_dma source(%arg8 : memref<392x128xf32, #tpu.memory_space<vmem>>) target(%dma_start3A_238 : memref<392x128xf32, #tpu.memory_space<hbm>>) target_semaphore(%arg10 : memref<!tpu.dma_semaphore, #tpu.memory_space<semaphore_mem>>)
    %dma_wait3A_239 = arith.constant 0 : i32
    %dma_wait3A_240 = tpu.memref_slice %arg4[%add3A_116, %dma_wait3A_239] : memref<50000x128xf32, #tpu.memory_space<hbm>> -> memref<392x128xf32, #tpu.memory_space<hbm>>
    %dma_wait3A_241 = arith.constant 0 : i32
    %dma_wait3A_242 = tpu.memref_slice %arg4[%add3A_116, %dma_wait3A_241] : memref<50000x128xf32, #tpu.memory_space<hbm>> -> memref<392x128xf32, #tpu.memory_space<hbm>>
    tpu.wait_dma2 semaphore(%arg10 : memref<!tpu.dma_semaphore, #tpu.memory_space<semaphore_mem>>) src(%arg7 : memref<392x128xf32, #tpu.memory_space<vmem>>) dst(%dma_wait3A_242 : memref<392x128xf32, #tpu.memory_space<hbm>>)
    %dma_start3A_243 = arith.constant 0 : i32
    %dma_start3A_244 = arith.constant 0 : i32
    %dma_start3A_245 = tpu.memref_slice %arg7[%dma_start3A_243, %dma_start3A_244] : memref<392x128xf32, #tpu.memory_space<vmem>> -> memref<56x128xf32, #tpu.memory_space<vmem>>
    %dma_start3A_246 = arith.constant 784 : i32
    %dma_start3A_247 = tpu.memref_slice %arg5[%dma_start3A_246] : memref<1568xi32, #tpu.memory_space<vmem>> -> memref<56xi32, #tpu.memory_space<vmem>>
    %dma_start3A_248 = arith.constant 0 : i32
    %dma_start3A_249 = arith.constant 0 : i32
    %dma_start3A_250 = tpu.memref_slice %arg6[%dma_start3A_248, %dma_start3A_249] : memref<100x128xf32, #tpu.memory_space<vmem_shared>> -> memref<100x128xf32, #tpu.memory_space<vmem_shared>>
    tpu.enqueue_indirect_dma source(%dma_start3A_250 : memref<100x128xf32, #tpu.memory_space<vmem_shared>>) target(%dma_start3A_245 : memref<56x128xf32, #tpu.memory_space<vmem>>) offsets(%dma_start3A_247 : memref<56xi32, #tpu.memory_space<vmem>>) semaphore(%arg9 : memref<!tpu.dma_semaphore, #tpu.memory_space<semaphore_mem>>)
    %dma_start3A_251 = arith.constant 56 : i32
    %dma_start3A_252 = arith.constant 0 : i32
    %dma_start3A_253 = tpu.memref_slice %arg7[%dma_start3A_251, %dma_start3A_252] : memref<392x128xf32, #tpu.memory_space<vmem>> -> memref<56x128xf32, #tpu.memory_space<vmem>>
    %dma_start3A_254 = arith.constant 840 : i32
    %dma_start3A_255 = tpu.memref_slice %arg5[%dma_start3A_254] : memref<1568xi32, #tpu.memory_space<vmem>> -> memref<56xi32, #tpu.memory_space<vmem>>
    %dma_start3A_256 = arith.constant 0 : i32
    %dma_start3A_257 = arith.constant 0 : i32
    %dma_start3A_258 = tpu.memref_slice %arg6[%dma_start3A_256, %dma_start3A_257] : memref<100x128xf32, #tpu.memory_space<vmem_shared>> -> memref<100x128xf32, #tpu.memory_space<vmem_shared>>
    tpu.enqueue_indirect_dma source(%dma_start3A_258 : memref<100x128xf32, #tpu.memory_space<vmem_shared>>) target(%dma_start3A_253 : memref<56x128xf32, #tpu.memory_space<vmem>>) offsets(%dma_start3A_255 : memref<56xi32, #tpu.memory_space<vmem>>) semaphore(%arg9 : memref<!tpu.dma_semaphore, #tpu.memory_space<semaphore_mem>>)
    %dma_start3A_259 = arith.constant 112 : i32
    %dma_start3A_260 = arith.constant 0 : i32
    %dma_start3A_261 = tpu.memref_slice %arg7[%dma_start3A_259, %dma_start3A_260] : memref<392x128xf32, #tpu.memory_space<vmem>> -> memref<56x128xf32, #tpu.memory_space<vmem>>
    %dma_start3A_262 = arith.constant 896 : i32
    %dma_start3A_263 = tpu.memref_slice %arg5[%dma_start3A_262] : memref<1568xi32, #tpu.memory_space<vmem>> -> memref<56xi32, #tpu.memory_space<vmem>>
    %dma_start3A_264 = arith.constant 0 : i32
    %dma_start3A_265 = arith.constant 0 : i32
    %dma_start3A_266 = tpu.memref_slice %arg6[%dma_start3A_264, %dma_start3A_265] : memref<100x128xf32, #tpu.memory_space<vmem_shared>> -> memref<100x128xf32, #tpu.memory_space<vmem_shared>>
    tpu.enqueue_indirect_dma source(%dma_start3A_266 : memref<100x128xf32, #tpu.memory_space<vmem_shared>>) target(%dma_start3A_261 : memref<56x128xf32, #tpu.memory_space<vmem>>) offsets(%dma_start3A_263 : memref<56xi32, #tpu.memory_space<vmem>>) semaphore(%arg9 : memref<!tpu.dma_semaphore, #tpu.memory_space<semaphore_mem>>)
    %dma_start3A_267 = arith.constant 168 : i32
    %dma_start3A_268 = arith.constant 0 : i32
    %dma_start3A_269 = tpu.memref_slice %arg7[%dma_start3A_267, %dma_start3A_268] : memref<392x128xf32, #tpu.memory_space<vmem>> -> memref<56x128xf32, #tpu.memory_space<vmem>>
    %dma_start3A_270 = arith.constant 952 : i32
    %dma_start3A_271 = tpu.memref_slice %arg5[%dma_start3A_270] : memref<1568xi32, #tpu.memory_space<vmem>> -> memref<56xi32, #tpu.memory_space<vmem>>
    %dma_start3A_272 = arith.constant 0 : i32
    %dma_start3A_273 = arith.constant 0 : i32
    %dma_start3A_274 = tpu.memref_slice %arg6[%dma_start3A_272, %dma_start3A_273] : memref<100x128xf32, #tpu.memory_space<vmem_shared>> -> memref<100x128xf32, #tpu.memory_space<vmem_shared>>
    tpu.enqueue_indirect_dma source(%dma_start3A_274 : memref<100x128xf32, #tpu.memory_space<vmem_shared>>) target(%dma_start3A_269 : memref<56x128xf32, #tpu.memory_space<vmem>>) offsets(%dma_start3A_271 : memref<56xi32, #tpu.memory_space<vmem>>) semaphore(%arg9 : memref<!tpu.dma_semaphore, #tpu.memory_space<semaphore_mem>>)
    %dma_start3A_275 = arith.constant 224 : i32
    %dma_start3A_276 = arith.constant 0 : i32
    %dma_start3A_277 = tpu.memref_slice %arg7[%dma_start3A_275, %dma_start3A_276] : memref<392x128xf32, #tpu.memory_space<vmem>> -> memref<56x128xf32, #tpu.memory_space<vmem>>
    %dma_start3A_278 = arith.constant 1008 : i32
    %dma_start3A_279 = tpu.memref_slice %arg5[%dma_start3A_278] : memref<1568xi32, #tpu.memory_space<vmem>> -> memref<56xi32, #tpu.memory_space<vmem>>
    %dma_start3A_280 = arith.constant 0 : i32
    %dma_start3A_281 = arith.constant 0 : i32
    %dma_start3A_282 = tpu.memref_slice %arg6[%dma_start3A_280, %dma_start3A_281] : memref<100x128xf32, #tpu.memory_space<vmem_shared>> -> memref<100x128xf32, #tpu.memory_space<vmem_shared>>
    tpu.enqueue_indirect_dma source(%dma_start3A_282 : memref<100x128xf32, #tpu.memory_space<vmem_shared>>) target(%dma_start3A_277 : memref<56x128xf32, #tpu.memory_space<vmem>>) offsets(%dma_start3A_279 : memref<56xi32, #tpu.memory_space<vmem>>) semaphore(%arg9 : memref<!tpu.dma_semaphore, #tpu.memory_space<semaphore_mem>>)
    %dma_start3A_283 = arith.constant 280 : i32
    %dma_start3A_284 = arith.constant 0 : i32
    %dma_start3A_285 = tpu.memref_slice %arg7[%dma_start3A_283, %dma_start3A_284] : memref<392x128xf32, #tpu.memory_space<vmem>> -> memref<56x128xf32, #tpu.memory_space<vmem>>
    %dma_start3A_286 = arith.constant 1064 : i32
    %dma_start3A_287 = tpu.memref_slice %arg5[%dma_start3A_286] : memref<1568xi32, #tpu.memory_space<vmem>> -> memref<56xi32, #tpu.memory_space<vmem>>
    %dma_start3A_288 = arith.constant 0 : i32
    %dma_start3A_289 = arith.constant 0 : i32
    %dma_start3A_290 = tpu.memref_slice %arg6[%dma_start3A_288, %dma_start3A_289] : memref<100x128xf32, #tpu.memory_space<vmem_shared>> -> memref<100x128xf32, #tpu.memory_space<vmem_shared>>
    tpu.enqueue_indirect_dma source(%dma_start3A_290 : memref<100x128xf32, #tpu.memory_space<vmem_shared>>) target(%dma_start3A_285 : memref<56x128xf32, #tpu.memory_space<vmem>>) offsets(%dma_start3A_287 : memref<56xi32, #tpu.memory_space<vmem>>) semaphore(%arg9 : memref<!tpu.dma_semaphore, #tpu.memory_space<semaphore_mem>>)
    %dma_start3A_291 = arith.constant 336 : i32
    %dma_start3A_292 = arith.constant 0 : i32
    %dma_start3A_293 = tpu.memref_slice %arg7[%dma_start3A_291, %dma_start3A_292] : memref<392x128xf32, #tpu.memory_space<vmem>> -> memref<56x128xf32, #tpu.memory_space<vmem>>
    %dma_start3A_294 = arith.constant 1120 : i32
    %dma_start3A_295 = tpu.memref_slice %arg5[%dma_start3A_294] : memref<1568xi32, #tpu.memory_space<vmem>> -> memref<56xi32, #tpu.memory_space<vmem>>
    %dma_start3A_296 = arith.constant 0 : i32
    %dma_start3A_297 = arith.constant 0 : i32
    %dma_start3A_298 = tpu.memref_slice %arg6[%dma_start3A_296, %dma_start3A_297] : memref<100x128xf32, #tpu.memory_space<vmem_shared>> -> memref<100x128xf32, #tpu.memory_space<vmem_shared>>
    tpu.enqueue_indirect_dma source(%dma_start3A_298 : memref<100x128xf32, #tpu.memory_space<vmem_shared>>) target(%dma_start3A_293 : memref<56x128xf32, #tpu.memory_space<vmem>>) offsets(%dma_start3A_295 : memref<56xi32, #tpu.memory_space<vmem>>) semaphore(%arg9 : memref<!tpu.dma_semaphore, #tpu.memory_space<semaphore_mem>>)
    %dma_wait3A_299 = arith.constant 0 : i32
    %dma_wait3A_300 = arith.constant 0 : i32
    %dma_wait3A_301 = tpu.memref_slice %arg7[%dma_wait3A_299, %dma_wait3A_300] : memref<392x128xf32, #tpu.memory_space<vmem>> -> memref<56x128xf32, #tpu.memory_space<vmem>>
    %dma_wait3A_302 = arith.constant 784 : i32
    %dma_wait3A_303 = tpu.memref_slice %arg5[%dma_wait3A_302] : memref<1568xi32, #tpu.memory_space<vmem>> -> memref<56xi32, #tpu.memory_space<vmem>>
    %dma_wait3A_304 = arith.constant 0 : i32
    %dma_wait3A_305 = arith.constant 0 : i32
    %dma_wait3A_306 = tpu.memref_slice %arg6[%dma_wait3A_304, %dma_wait3A_305] : memref<100x128xf32, #tpu.memory_space<vmem_shared>> -> memref<100x128xf32, #tpu.memory_space<vmem_shared>>
    tpu.wait_indirect_dma semaphore(%arg9 : memref<!tpu.dma_semaphore, #tpu.memory_space<semaphore_mem>>) src(%dma_wait3A_306 : memref<100x128xf32, #tpu.memory_space<vmem_shared>>) dst(%dma_wait3A_301 : memref<56x128xf32, #tpu.memory_space<vmem>>)
    %dma_wait3A_307 = arith.constant 56 : i32
    %dma_wait3A_308 = arith.constant 0 : i32
    %dma_wait3A_309 = tpu.memref_slice %arg7[%dma_wait3A_307, %dma_wait3A_308] : memref<392x128xf32, #tpu.memory_space<vmem>> -> memref<56x128xf32, #tpu.memory_space<vmem>>
    %dma_wait3A_310 = arith.constant 840 : i32
    %dma_wait3A_311 = tpu.memref_slice %arg5[%dma_wait3A_310] : memref<1568xi32, #tpu.memory_space<vmem>> -> memref<56xi32, #tpu.memory_space<vmem>>
    %dma_wait3A_312 = arith.constant 0 : i32
    %dma_wait3A_313 = arith.constant 0 : i32
    %dma_wait3A_314 = tpu.memref_slice %arg6[%dma_wait3A_312, %dma_wait3A_313] : memref<100x128xf32, #tpu.memory_space<vmem_shared>> -> memref<100x128xf32, #tpu.memory_space<vmem_shared>>
    tpu.wait_indirect_dma semaphore(%arg9 : memref<!tpu.dma_semaphore, #tpu.memory_space<semaphore_mem>>) src(%dma_wait3A_314 : memref<100x128xf32, #tpu.memory_space<vmem_shared>>) dst(%dma_wait3A_309 : memref<56x128xf32, #tpu.memory_space<vmem>>)
    %dma_wait3A_315 = arith.constant 112 : i32
    %dma_wait3A_316 = arith.constant 0 : i32
    %dma_wait3A_317 = tpu.memref_slice %arg7[%dma_wait3A_315, %dma_wait3A_316] : memref<392x128xf32, #tpu.memory_space<vmem>> -> memref<56x128xf32, #tpu.memory_space<vmem>>
    %dma_wait3A_318 = arith.constant 896 : i32
    %dma_wait3A_319 = tpu.memref_slice %arg5[%dma_wait3A_318] : memref<1568xi32, #tpu.memory_space<vmem>> -> memref<56xi32, #tpu.memory_space<vmem>>
    %dma_wait3A_320 = arith.constant 0 : i32
    %dma_wait3A_321 = arith.constant 0 : i32
    %dma_wait3A_322 = tpu.memref_slice %arg6[%dma_wait3A_320, %dma_wait3A_321] : memref<100x128xf32, #tpu.memory_space<vmem_shared>> -> memref<100x128xf32, #tpu.memory_space<vmem_shared>>
    tpu.wait_indirect_dma semaphore(%arg9 : memref<!tpu.dma_semaphore, #tpu.memory_space<semaphore_mem>>) src(%dma_wait3A_322 : memref<100x128xf32, #tpu.memory_space<vmem_shared>>) dst(%dma_wait3A_317 : memref<56x128xf32, #tpu.memory_space<vmem>>)
    %dma_wait3A_323 = arith.constant 168 : i32
    %dma_wait3A_324 = arith.constant 0 : i32
    %dma_wait3A_325 = tpu.memref_slice %arg7[%dma_wait3A_323, %dma_wait3A_324] : memref<392x128xf32, #tpu.memory_space<vmem>> -> memref<56x128xf32, #tpu.memory_space<vmem>>
    %dma_wait3A_326 = arith.constant 952 : i32
    %dma_wait3A_327 = tpu.memref_slice %arg5[%dma_wait3A_326] : memref<1568xi32, #tpu.memory_space<vmem>> -> memref<56xi32, #tpu.memory_space<vmem>>
    %dma_wait3A_328 = arith.constant 0 : i32
    %dma_wait3A_329 = arith.constant 0 : i32
    %dma_wait3A_330 = tpu.memref_slice %arg6[%dma_wait3A_328, %dma_wait3A_329] : memref<100x128xf32, #tpu.memory_space<vmem_shared>> -> memref<100x128xf32, #tpu.memory_space<vmem_shared>>
    tpu.wait_indirect_dma semaphore(%arg9 : memref<!tpu.dma_semaphore, #tpu.memory_space<semaphore_mem>>) src(%dma_wait3A_330 : memref<100x128xf32, #tpu.memory_space<vmem_shared>>) dst(%dma_wait3A_325 : memref<56x128xf32, #tpu.memory_space<vmem>>)
    %dma_wait3A_331 = arith.constant 224 : i32
    %dma_wait3A_332 = arith.constant 0 : i32
    %dma_wait3A_333 = tpu.memref_slice %arg7[%dma_wait3A_331, %dma_wait3A_332] : memref<392x128xf32, #tpu.memory_space<vmem>> -> memref<56x128xf32, #tpu.memory_space<vmem>>
    %dma_wait3A_334 = arith.constant 1008 : i32
    %dma_wait3A_335 = tpu.memref_slice %arg5[%dma_wait3A_334] : memref<1568xi32, #tpu.memory_space<vmem>> -> memref<56xi32, #tpu.memory_space<vmem>>
    %dma_wait3A_336 = arith.constant 0 : i32
    %dma_wait3A_337 = arith.constant 0 : i32
    %dma_wait3A_338 = tpu.memref_slice %arg6[%dma_wait3A_336, %dma_wait3A_337] : memref<100x128xf32, #tpu.memory_space<vmem_shared>> -> memref<100x128xf32, #tpu.memory_space<vmem_shared>>
    tpu.wait_indirect_dma semaphore(%arg9 : memref<!tpu.dma_semaphore, #tpu.memory_space<semaphore_mem>>) src(%dma_wait3A_338 : memref<100x128xf32, #tpu.memory_space<vmem_shared>>) dst(%dma_wait3A_333 : memref<56x128xf32, #tpu.memory_space<vmem>>)
    %dma_wait3A_339 = arith.constant 280 : i32
    %dma_wait3A_340 = arith.constant 0 : i32
    %dma_wait3A_341 = tpu.memref_slice %arg7[%dma_wait3A_339, %dma_wait3A_340] : memref<392x128xf32, #tpu.memory_space<vmem>> -> memref<56x128xf32, #tpu.memory_space<vmem>>
    %dma_wait3A_342 = arith.constant 1064 : i32
    %dma_wait3A_343 = tpu.memref_slice %arg5[%dma_wait3A_342] : memref<1568xi32, #tpu.memory_space<vmem>> -> memref<56xi32, #tpu.memory_space<vmem>>
    %dma_wait3A_344 = arith.constant 0 : i32
    %dma_wait3A_345 = arith.constant 0 : i32
    %dma_wait3A_346 = tpu.memref_slice %arg6[%dma_wait3A_344, %dma_wait3A_345] : memref<100x128xf32, #tpu.memory_space<vmem_shared>> -> memref<100x128xf32, #tpu.memory_space<vmem_shared>>
    tpu.wait_indirect_dma semaphore(%arg9 : memref<!tpu.dma_semaphore, #tpu.memory_space<semaphore_mem>>) src(%dma_wait3A_346 : memref<100x128xf32, #tpu.memory_space<vmem_shared>>) dst(%dma_wait3A_341 : memref<56x128xf32, #tpu.memory_space<vmem>>)
    %dma_wait3A_347 = arith.constant 336 : i32
    %dma_wait3A_348 = arith.constant 0 : i32
    %dma_wait3A_349 = tpu.memref_slice %arg7[%dma_wait3A_347, %dma_wait3A_348] : memref<392x128xf32, #tpu.memory_space<vmem>> -> memref<56x128xf32, #tpu.memory_space<vmem>>
    %dma_wait3A_350 = arith.constant 1120 : i32
    %dma_wait3A_351 = tpu.memref_slice %arg5[%dma_wait3A_350] : memref<1568xi32, #tpu.memory_space<vmem>> -> memref<56xi32, #tpu.memory_space<vmem>>
    %dma_wait3A_352 = arith.constant 0 : i32
    %dma_wait3A_353 = arith.constant 0 : i32
    %dma_wait3A_354 = tpu.memref_slice %arg6[%dma_wait3A_352, %dma_wait3A_353] : memref<100x128xf32, #tpu.memory_space<vmem_shared>> -> memref<100x128xf32, #tpu.memory_space<vmem_shared>>
    tpu.wait_indirect_dma semaphore(%arg9 : memref<!tpu.dma_semaphore, #tpu.memory_space<semaphore_mem>>) src(%dma_wait3A_354 : memref<100x128xf32, #tpu.memory_space<vmem_shared>>) dst(%dma_wait3A_349 : memref<56x128xf32, #tpu.memory_space<vmem>>)
    %add3A_355 = arith.constant 784 : i32
    %add3A_356 = arith.addi %mul3A_2, %add3A_355 : i32
    %dma_start3A_357 = arith.constant 0 : i32
    %dma_start3A_358 = tpu.memref_slice %arg4[%add3A_356, %dma_start3A_357] : memref<50000x128xf32, #tpu.memory_space<hbm>> -> memref<392x128xf32, #tpu.memory_space<hbm>>
    %dma_start3A_359 = arith.constant 0 : i32
    %dma_start3A_360 = tpu.memref_slice %arg4[%add3A_356, %dma_start3A_359] : memref<50000x128xf32, #tpu.memory_space<hbm>> -> memref<392x128xf32, #tpu.memory_space<hbm>>
    tpu.enqueue_dma source(%arg7 : memref<392x128xf32, #tpu.memory_space<vmem>>) target(%dma_start3A_360 : memref<392x128xf32, #tpu.memory_space<hbm>>) target_semaphore(%arg10 : memref<!tpu.dma_semaphore, #tpu.memory_space<semaphore_mem>>)
    %dma_wait3A_361 = arith.constant 0 : i32
    %dma_wait3A_362 = tpu.memref_slice %arg4[%add3A_234, %dma_wait3A_361] : memref<50000x128xf32, #tpu.memory_space<hbm>> -> memref<392x128xf32, #tpu.memory_space<hbm>>
    %dma_wait3A_363 = arith.constant 0 : i32
    %dma_wait3A_364 = tpu.memref_slice %arg4[%add3A_234, %dma_wait3A_363] : memref<50000x128xf32, #tpu.memory_space<hbm>> -> memref<392x128xf32, #tpu.memory_space<hbm>>
    tpu.wait_dma2 semaphore(%arg10 : memref<!tpu.dma_semaphore, #tpu.memory_space<semaphore_mem>>) src(%arg8 : memref<392x128xf32, #tpu.memory_space<vmem>>) dst(%dma_wait3A_364 : memref<392x128xf32, #tpu.memory_space<hbm>>)
    %dma_start3A_365 = arith.constant 0 : i32
    %dma_start3A_366 = arith.constant 0 : i32
    %dma_start3A_367 = tpu.memref_slice %arg8[%dma_start3A_365, %dma_start3A_366] : memref<392x128xf32, #tpu.memory_space<vmem>> -> memref<56x128xf32, #tpu.memory_space<vmem>>
    %dma_start3A_368 = arith.constant 1176 : i32
    %dma_start3A_369 = tpu.memref_slice %arg5[%dma_start3A_368] : memref<1568xi32, #tpu.memory_space<vmem>> -> memref<56xi32, #tpu.memory_space<vmem>>
    %dma_start3A_370 = arith.constant 0 : i32
    %dma_start3A_371 = arith.constant 0 : i32
    %dma_start3A_372 = tpu.memref_slice %arg6[%dma_start3A_370, %dma_start3A_371] : memref<100x128xf32, #tpu.memory_space<vmem_shared>> -> memref<100x128xf32, #tpu.memory_space<vmem_shared>>
    tpu.enqueue_indirect_dma source(%dma_start3A_372 : memref<100x128xf32, #tpu.memory_space<vmem_shared>>) target(%dma_start3A_367 : memref<56x128xf32, #tpu.memory_space<vmem>>) offsets(%dma_start3A_369 : memref<56xi32, #tpu.memory_space<vmem>>) semaphore(%arg9 : memref<!tpu.dma_semaphore, #tpu.memory_space<semaphore_mem>>)
    %dma_start3A_373 = arith.constant 56 : i32
    %dma_start3A_374 = arith.constant 0 : i32
    %dma_start3A_375 = tpu.memref_slice %arg8[%dma_start3A_373, %dma_start3A_374] : memref<392x128xf32, #tpu.memory_space<vmem>> -> memref<56x128xf32, #tpu.memory_space<vmem>>
    %dma_start3A_376 = arith.constant 1232 : i32
    %dma_start3A_377 = tpu.memref_slice %arg5[%dma_start3A_376] : memref<1568xi32, #tpu.memory_space<vmem>> -> memref<56xi32, #tpu.memory_space<vmem>>
    %dma_start3A_378 = arith.constant 0 : i32
    %dma_start3A_379 = arith.constant 0 : i32
    %dma_start3A_380 = tpu.memref_slice %arg6[%dma_start3A_378, %dma_start3A_379] : memref<100x128xf32, #tpu.memory_space<vmem_shared>> -> memref<100x128xf32, #tpu.memory_space<vmem_shared>>
    tpu.enqueue_indirect_dma source(%dma_start3A_380 : memref<100x128xf32, #tpu.memory_space<vmem_shared>>) target(%dma_start3A_375 : memref<56x128xf32, #tpu.memory_space<vmem>>) offsets(%dma_start3A_377 : memref<56xi32, #tpu.memory_space<vmem>>) semaphore(%arg9 : memref<!tpu.dma_semaphore, #tpu.memory_space<semaphore_mem>>)
    %dma_start3A_381 = arith.constant 112 : i32
    %dma_start3A_382 = arith.constant 0 : i32
    %dma_start3A_383 = tpu.memref_slice %arg8[%dma_start3A_381, %dma_start3A_382] : memref<392x128xf32, #tpu.memory_space<vmem>> -> memref<56x128xf32, #tpu.memory_space<vmem>>
    %dma_start3A_384 = arith.constant 1288 : i32
    %dma_start3A_385 = tpu.memref_slice %arg5[%dma_start3A_384] : memref<1568xi32, #tpu.memory_space<vmem>> -> memref<56xi32, #tpu.memory_space<vmem>>
    %dma_start3A_386 = arith.constant 0 : i32
    %dma_start3A_387 = arith.constant 0 : i32
    %dma_start3A_388 = tpu.memref_slice %arg6[%dma_start3A_386, %dma_start3A_387] : memref<100x128xf32, #tpu.memory_space<vmem_shared>> -> memref<100x128xf32, #tpu.memory_space<vmem_shared>>
    tpu.enqueue_indirect_dma source(%dma_start3A_388 : memref<100x128xf32, #tpu.memory_space<vmem_shared>>) target(%dma_start3A_383 : memref<56x128xf32, #tpu.memory_space<vmem>>) offsets(%dma_start3A_385 : memref<56xi32, #tpu.memory_space<vmem>>) semaphore(%arg9 : memref<!tpu.dma_semaphore, #tpu.memory_space<semaphore_mem>>)
    %dma_start3A_389 = arith.constant 168 : i32
    %dma_start3A_390 = arith.constant 0 : i32
    %dma_start3A_391 = tpu.memref_slice %arg8[%dma_start3A_389, %dma_start3A_390] : memref<392x128xf32, #tpu.memory_space<vmem>> -> memref<56x128xf32, #tpu.memory_space<vmem>>
    %dma_start3A_392 = arith.constant 1344 : i32
    %dma_start3A_393 = tpu.memref_slice %arg5[%dma_start3A_392] : memref<1568xi32, #tpu.memory_space<vmem>> -> memref<56xi32, #tpu.memory_space<vmem>>
    %dma_start3A_394 = arith.constant 0 : i32
    %dma_start3A_395 = arith.constant 0 : i32
    %dma_start3A_396 = tpu.memref_slice %arg6[%dma_start3A_394, %dma_start3A_395] : memref<100x128xf32, #tpu.memory_space<vmem_shared>> -> memref<100x128xf32, #tpu.memory_space<vmem_shared>>
    tpu.enqueue_indirect_dma source(%dma_start3A_396 : memref<100x128xf32, #tpu.memory_space<vmem_shared>>) target(%dma_start3A_391 : memref<56x128xf32, #tpu.memory_space<vmem>>) offsets(%dma_start3A_393 : memref<56xi32, #tpu.memory_space<vmem>>) semaphore(%arg9 : memref<!tpu.dma_semaphore, #tpu.memory_space<semaphore_mem>>)
    %dma_start3A_397 = arith.constant 224 : i32
    %dma_start3A_398 = arith.constant 0 : i32
    %dma_start3A_399 = tpu.memref_slice %arg8[%dma_start3A_397, %dma_start3A_398] : memref<392x128xf32, #tpu.memory_space<vmem>> -> memref<56x128xf32, #tpu.memory_space<vmem>>
    %dma_start3A_400 = arith.constant 1400 : i32
    %dma_start3A_401 = tpu.memref_slice %arg5[%dma_start3A_400] : memref<1568xi32, #tpu.memory_space<vmem>> -> memref<56xi32, #tpu.memory_space<vmem>>
    %dma_start3A_402 = arith.constant 0 : i32
    %dma_start3A_403 = arith.constant 0 : i32
    %dma_start3A_404 = tpu.memref_slice %arg6[%dma_start3A_402, %dma_start3A_403] : memref<100x128xf32, #tpu.memory_space<vmem_shared>> -> memref<100x128xf32, #tpu.memory_space<vmem_shared>>
    tpu.enqueue_indirect_dma source(%dma_start3A_404 : memref<100x128xf32, #tpu.memory_space<vmem_shared>>) target(%dma_start3A_399 : memref<56x128xf32, #tpu.memory_space<vmem>>) offsets(%dma_start3A_401 : memref<56xi32, #tpu.memory_space<vmem>>) semaphore(%arg9 : memref<!tpu.dma_semaphore, #tpu.memory_space<semaphore_mem>>)
    %dma_start3A_405 = arith.constant 280 : i32
    %dma_start3A_406 = arith.constant 0 : i32
    %dma_start3A_407 = tpu.memref_slice %arg8[%dma_start3A_405, %dma_start3A_406] : memref<392x128xf32, #tpu.memory_space<vmem>> -> memref<56x128xf32, #tpu.memory_space<vmem>>
    %dma_start3A_408 = arith.constant 1456 : i32
    %dma_start3A_409 = tpu.memref_slice %arg5[%dma_start3A_408] : memref<1568xi32, #tpu.memory_space<vmem>> -> memref<56xi32, #tpu.memory_space<vmem>>
    %dma_start3A_410 = arith.constant 0 : i32
    %dma_start3A_411 = arith.constant 0 : i32
    %dma_start3A_412 = tpu.memref_slice %arg6[%dma_start3A_410, %dma_start3A_411] : memref<100x128xf32, #tpu.memory_space<vmem_shared>> -> memref<100x128xf32, #tpu.memory_space<vmem_shared>>
    tpu.enqueue_indirect_dma source(%dma_start3A_412 : memref<100x128xf32, #tpu.memory_space<vmem_shared>>) target(%dma_start3A_407 : memref<56x128xf32, #tpu.memory_space<vmem>>) offsets(%dma_start3A_409 : memref<56xi32, #tpu.memory_space<vmem>>) semaphore(%arg9 : memref<!tpu.dma_semaphore, #tpu.memory_space<semaphore_mem>>)
    %dma_start3A_413 = arith.constant 336 : i32
    %dma_start3A_414 = arith.constant 0 : i32
    %dma_start3A_415 = tpu.memref_slice %arg8[%dma_start3A_413, %dma_start3A_414] : memref<392x128xf32, #tpu.memory_space<vmem>> -> memref<56x128xf32, #tpu.memory_space<vmem>>
    %dma_start3A_416 = arith.constant 1512 : i32
    %dma_start3A_417 = tpu.memref_slice %arg5[%dma_start3A_416] : memref<1568xi32, #tpu.memory_space<vmem>> -> memref<56xi32, #tpu.memory_space<vmem>>
    %dma_start3A_418 = arith.constant 0 : i32
    %dma_start3A_419 = arith.constant 0 : i32
    %dma_start3A_420 = tpu.memref_slice %arg6[%dma_start3A_418, %dma_start3A_419] : memref<100x128xf32, #tpu.memory_space<vmem_shared>> -> memref<100x128xf32, #tpu.memory_space<vmem_shared>>
    tpu.enqueue_indirect_dma source(%dma_start3A_420 : memref<100x128xf32, #tpu.memory_space<vmem_shared>>) target(%dma_start3A_415 : memref<56x128xf32, #tpu.memory_space<vmem>>) offsets(%dma_start3A_417 : memref<56xi32, #tpu.memory_space<vmem>>) semaphore(%arg9 : memref<!tpu.dma_semaphore, #tpu.memory_space<semaphore_mem>>)
    %dma_wait3A_421 = arith.constant 0 : i32
    %dma_wait3A_422 = arith.constant 0 : i32
    %dma_wait3A_423 = tpu.memref_slice %arg8[%dma_wait3A_421, %dma_wait3A_422] : memref<392x128xf32, #tpu.memory_space<vmem>> -> memref<56x128xf32, #tpu.memory_space<vmem>>
    %dma_wait3A_424 = arith.constant 1176 : i32
    %dma_wait3A_425 = tpu.memref_slice %arg5[%dma_wait3A_424] : memref<1568xi32, #tpu.memory_space<vmem>> -> memref<56xi32, #tpu.memory_space<vmem>>
    %dma_wait3A_426 = arith.constant 0 : i32
    %dma_wait3A_427 = arith.constant 0 : i32
    %dma_wait3A_428 = tpu.memref_slice %arg6[%dma_wait3A_426, %dma_wait3A_427] : memref<100x128xf32, #tpu.memory_space<vmem_shared>> -> memref<100x128xf32, #tpu.memory_space<vmem_shared>>
    tpu.wait_indirect_dma semaphore(%arg9 : memref<!tpu.dma_semaphore, #tpu.memory_space<semaphore_mem>>) src(%dma_wait3A_428 : memref<100x128xf32, #tpu.memory_space<vmem_shared>>) dst(%dma_wait3A_423 : memref<56x128xf32, #tpu.memory_space<vmem>>)
    %dma_wait3A_429 = arith.constant 56 : i32
    %dma_wait3A_430 = arith.constant 0 : i32
    %dma_wait3A_431 = tpu.memref_slice %arg8[%dma_wait3A_429, %dma_wait3A_430] : memref<392x128xf32, #tpu.memory_space<vmem>> -> memref<56x128xf32, #tpu.memory_space<vmem>>
    %dma_wait3A_432 = arith.constant 1232 : i32
    %dma_wait3A_433 = tpu.memref_slice %arg5[%dma_wait3A_432] : memref<1568xi32, #tpu.memory_space<vmem>> -> memref<56xi32, #tpu.memory_space<vmem>>
    %dma_wait3A_434 = arith.constant 0 : i32
    %dma_wait3A_435 = arith.constant 0 : i32
    %dma_wait3A_436 = tpu.memref_slice %arg6[%dma_wait3A_434, %dma_wait3A_435] : memref<100x128xf32, #tpu.memory_space<vmem_shared>> -> memref<100x128xf32, #tpu.memory_space<vmem_shared>>
    tpu.wait_indirect_dma semaphore(%arg9 : memref<!tpu.dma_semaphore, #tpu.memory_space<semaphore_mem>>) src(%dma_wait3A_436 : memref<100x128xf32, #tpu.memory_space<vmem_shared>>) dst(%dma_wait3A_431 : memref<56x128xf32, #tpu.memory_space<vmem>>)
    %dma_wait3A_437 = arith.constant 112 : i32
    %dma_wait3A_438 = arith.constant 0 : i32
    %dma_wait3A_439 = tpu.memref_slice %arg8[%dma_wait3A_437, %dma_wait3A_438] : memref<392x128xf32, #tpu.memory_space<vmem>> -> memref<56x128xf32, #tpu.memory_space<vmem>>
    %dma_wait3A_440 = arith.constant 1288 : i32
    %dma_wait3A_441 = tpu.memref_slice %arg5[%dma_wait3A_440] : memref<1568xi32, #tpu.memory_space<vmem>> -> memref<56xi32, #tpu.memory_space<vmem>>
    %dma_wait3A_442 = arith.constant 0 : i32
    %dma_wait3A_443 = arith.constant 0 : i32
    %dma_wait3A_444 = tpu.memref_slice %arg6[%dma_wait3A_442, %dma_wait3A_443] : memref<100x128xf32, #tpu.memory_space<vmem_shared>> -> memref<100x128xf32, #tpu.memory_space<vmem_shared>>
    tpu.wait_indirect_dma semaphore(%arg9 : memref<!tpu.dma_semaphore, #tpu.memory_space<semaphore_mem>>) src(%dma_wait3A_444 : memref<100x128xf32, #tpu.memory_space<vmem_shared>>) dst(%dma_wait3A_439 : memref<56x128xf32, #tpu.memory_space<vmem>>)
    %dma_wait3A_445 = arith.constant 168 : i32
    %dma_wait3A_446 = arith.constant 0 : i32
    %dma_wait3A_447 = tpu.memref_slice %arg8[%dma_wait3A_445, %dma_wait3A_446] : memref<392x128xf32, #tpu.memory_space<vmem>> -> memref<56x128xf32, #tpu.memory_space<vmem>>
    %dma_wait3A_448 = arith.constant 1344 : i32
    %dma_wait3A_449 = tpu.memref_slice %arg5[%dma_wait3A_448] : memref<1568xi32, #tpu.memory_space<vmem>> -> memref<56xi32, #tpu.memory_space<vmem>>
    %dma_wait3A_450 = arith.constant 0 : i32
    %dma_wait3A_451 = arith.constant 0 : i32
    %dma_wait3A_452 = tpu.memref_slice %arg6[%dma_wait3A_450, %dma_wait3A_451] : memref<100x128xf32, #tpu.memory_space<vmem_shared>> -> memref<100x128xf32, #tpu.memory_space<vmem_shared>>
    tpu.wait_indirect_dma semaphore(%arg9 : memref<!tpu.dma_semaphore, #tpu.memory_space<semaphore_mem>>) src(%dma_wait3A_452 : memref<100x128xf32, #tpu.memory_space<vmem_shared>>) dst(%dma_wait3A_447 : memref<56x128xf32, #tpu.memory_space<vmem>>)
    %dma_wait3A_453 = arith.constant 224 : i32
    %dma_wait3A_454 = arith.constant 0 : i32
    %dma_wait3A_455 = tpu.memref_slice %arg8[%dma_wait3A_453, %dma_wait3A_454] : memref<392x128xf32, #tpu.memory_space<vmem>> -> memref<56x128xf32, #tpu.memory_space<vmem>>
    %dma_wait3A_456 = arith.constant 1400 : i32
    %dma_wait3A_457 = tpu.memref_slice %arg5[%dma_wait3A_456] : memref<1568xi32, #tpu.memory_space<vmem>> -> memref<56xi32, #tpu.memory_space<vmem>>
    %dma_wait3A_458 = arith.constant 0 : i32
    %dma_wait3A_459 = arith.constant 0 : i32
    %dma_wait3A_460 = tpu.memref_slice %arg6[%dma_wait3A_458, %dma_wait3A_459] : memref<100x128xf32, #tpu.memory_space<vmem_shared>> -> memref<100x128xf32, #tpu.memory_space<vmem_shared>>
    tpu.wait_indirect_dma semaphore(%arg9 : memref<!tpu.dma_semaphore, #tpu.memory_space<semaphore_mem>>) src(%dma_wait3A_460 : memref<100x128xf32, #tpu.memory_space<vmem_shared>>) dst(%dma_wait3A_455 : memref<56x128xf32, #tpu.memory_space<vmem>>)
    %dma_wait3A_461 = arith.constant 280 : i32
    %dma_wait3A_462 = arith.constant 0 : i32
    %dma_wait3A_463 = tpu.memref_slice %arg8[%dma_wait3A_461, %dma_wait3A_462] : memref<392x128xf32, #tpu.memory_space<vmem>> -> memref<56x128xf32, #tpu.memory_space<vmem>>
    %dma_wait3A_464 = arith.constant 1456 : i32
    %dma_wait3A_465 = tpu.memref_slice %arg5[%dma_wait3A_464] : memref<1568xi32, #tpu.memory_space<vmem>> -> memref<56xi32, #tpu.memory_space<vmem>>
    %dma_wait3A_466 = arith.constant 0 : i32
    %dma_wait3A_467 = arith.constant 0 : i32
    %dma_wait3A_468 = tpu.memref_slice %arg6[%dma_wait3A_466, %dma_wait3A_467] : memref<100x128xf32, #tpu.memory_space<vmem_shared>> -> memref<100x128xf32, #tpu.memory_space<vmem_shared>>
    tpu.wait_indirect_dma semaphore(%arg9 : memref<!tpu.dma_semaphore, #tpu.memory_space<semaphore_mem>>) src(%dma_wait3A_468 : memref<100x128xf32, #tpu.memory_space<vmem_shared>>) dst(%dma_wait3A_463 : memref<56x128xf32, #tpu.memory_space<vmem>>)
    %dma_wait3A_469 = arith.constant 336 : i32
    %dma_wait3A_470 = arith.constant 0 : i32
    %dma_wait3A_471 = tpu.memref_slice %arg8[%dma_wait3A_469, %dma_wait3A_470] : memref<392x128xf32, #tpu.memory_space<vmem>> -> memref<56x128xf32, #tpu.memory_space<vmem>>
    %dma_wait3A_472 = arith.constant 1512 : i32
    %dma_wait3A_473 = tpu.memref_slice %arg5[%dma_wait3A_472] : memref<1568xi32, #tpu.memory_space<vmem>> -> memref<56xi32, #tpu.memory_space<vmem>>
    %dma_wait3A_474 = arith.constant 0 : i32
    %dma_wait3A_475 = arith.constant 0 : i32
    %dma_wait3A_476 = tpu.memref_slice %arg6[%dma_wait3A_474, %dma_wait3A_475] : memref<100x128xf32, #tpu.memory_space<vmem_shared>> -> memref<100x128xf32, #tpu.memory_space<vmem_shared>>
    tpu.wait_indirect_dma semaphore(%arg9 : memref<!tpu.dma_semaphore, #tpu.memory_space<semaphore_mem>>) src(%dma_wait3A_476 : memref<100x128xf32, #tpu.memory_space<vmem_shared>>) dst(%dma_wait3A_471 : memref<56x128xf32, #tpu.memory_space<vmem>>)
    %add3A_477 = arith.constant 1176 : i32
    %add3A_478 = arith.addi %mul3A_2, %add3A_477 : i32
    %lt3A = arith.constant 31 : i32
    %lt3A_479 = arith.cmpi slt, %add3A, %lt3A : i32
    %convert_element_type3A_480 = arith.extui %lt3A_479 : i1 to i32
    %cond3A_481 = arith.constant 0 : i32
    %cond3A_482 = arith.cmpi ne, %convert_element_type3A_480, %cond3A_481 : i32
    scf.if %cond3A_482 {
      %dma_start3A_492 = arith.constant 0 : i32
      %dma_start3A_493 = tpu.memref_slice %arg4[%add3A_478, %dma_start3A_492] : memref<50000x128xf32, #tpu.memory_space<hbm>> -> memref<392x128xf32, #tpu.memory_space<hbm>>
      %dma_start3A_494 = arith.constant 0 : i32
      %dma_start3A_495 = tpu.memref_slice %arg4[%add3A_478, %dma_start3A_494] : memref<50000x128xf32, #tpu.memory_space<hbm>> -> memref<392x128xf32, #tpu.memory_space<hbm>>
      tpu.enqueue_dma source(%arg8 : memref<392x128xf32, #tpu.memory_space<vmem>>) target(%dma_start3A_495 : memref<392x128xf32, #tpu.memory_space<hbm>>) target_semaphore(%arg10 : memref<!tpu.dma_semaphore, #tpu.memory_space<semaphore_mem>>)
      %dma_wait3A_496 = arith.constant 0 : i32
      %dma_wait3A_497 = tpu.memref_slice %arg4[%add3A_478, %dma_wait3A_496] : memref<50000x128xf32, #tpu.memory_space<hbm>> -> memref<392x128xf32, #tpu.memory_space<hbm>>
      %dma_wait3A_498 = arith.constant 0 : i32
      %dma_wait3A_499 = tpu.memref_slice %arg4[%add3A_478, %dma_wait3A_498] : memref<50000x128xf32, #tpu.memory_space<hbm>> -> memref<392x128xf32, #tpu.memory_space<hbm>>
      tpu.wait_dma2 semaphore(%arg10 : memref<!tpu.dma_semaphore, #tpu.memory_space<semaphore_mem>>) src(%arg8 : memref<392x128xf32, #tpu.memory_space<vmem>>) dst(%dma_wait3A_499 : memref<392x128xf32, #tpu.memory_space<hbm>>)
    } else {
    }
    %eq3A_483 = arith.constant 31 : i32
    %eq3A_484 = arith.cmpi eq, %add3A, %eq3A_483 : i32
    %convert_element_type3A_485 = arith.extui %eq3A_484 : i1 to i32
    %cond3A_486 = arith.constant 0 : i32
    %cond3A_487 = arith.cmpi ne, %convert_element_type3A_485, %cond3A_486 : i32
    scf.if %cond3A_487 {
      %dma_start3A_492 = arith.constant 0 : i32
      %dma_start3A_493 = arith.constant 0 : i32
      %dma_start3A_494 = tpu.memref_slice %arg8[%dma_start3A_492, %dma_start3A_493] : memref<392x128xf32, #tpu.memory_space<vmem>> -> memref<216x128xf32, #tpu.memory_space<vmem>>
      %dma_start3A_495 = arith.constant 0 : i32
      %dma_start3A_496 = tpu.memref_slice %arg4[%add3A_478, %dma_start3A_495] : memref<50000x128xf32, #tpu.memory_space<hbm>> -> memref<216x128xf32, #tpu.memory_space<hbm>>
      %dma_start3A_497 = arith.constant 0 : i32
      %dma_start3A_498 = tpu.memref_slice %arg4[%add3A_478, %dma_start3A_497] : memref<50000x128xf32, #tpu.memory_space<hbm>> -> memref<216x128xf32, #tpu.memory_space<hbm>>
      %dma_start3A_499 = arith.constant 0 : i32
      %dma_start3A_500 = arith.constant 0 : i32
      %dma_start3A_501 = tpu.memref_slice %arg8[%dma_start3A_499, %dma_start3A_500] : memref<392x128xf32, #tpu.memory_space<vmem>> -> memref<216x128xf32, #tpu.memory_space<vmem>>
      tpu.enqueue_dma source(%dma_start3A_501 : memref<216x128xf32, #tpu.memory_space<vmem>>) target(%dma_start3A_498 : memref<216x128xf32, #tpu.memory_space<hbm>>) target_semaphore(%arg10 : memref<!tpu.dma_semaphore, #tpu.memory_space<semaphore_mem>>)
      %dma_wait3A_502 = arith.constant 0 : i32
      %dma_wait3A_503 = arith.constant 0 : i32
      %dma_wait3A_504 = tpu.memref_slice %arg8[%dma_wait3A_502, %dma_wait3A_503] : memref<392x128xf32, #tpu.memory_space<vmem>> -> memref<216x128xf32, #tpu.memory_space<vmem>>
      %dma_wait3A_505 = arith.constant 0 : i32
      %dma_wait3A_506 = tpu.memref_slice %arg4[%add3A_478, %dma_wait3A_505] : memref<50000x128xf32, #tpu.memory_space<hbm>> -> memref<216x128xf32, #tpu.memory_space<hbm>>
      %dma_wait3A_507 = arith.constant 0 : i32
      %dma_wait3A_508 = tpu.memref_slice %arg4[%add3A_478, %dma_wait3A_507] : memref<50000x128xf32, #tpu.memory_space<hbm>> -> memref<216x128xf32, #tpu.memory_space<hbm>>
      %dma_wait3A_509 = arith.constant 0 : i32
      %dma_wait3A_510 = arith.constant 0 : i32
      %dma_wait3A_511 = tpu.memref_slice %arg8[%dma_wait3A_509, %dma_wait3A_510] : memref<392x128xf32, #tpu.memory_space<vmem>> -> memref<216x128xf32, #tpu.memory_space<vmem>>
      tpu.wait_dma2 semaphore(%arg10 : memref<!tpu.dma_semaphore, #tpu.memory_space<semaphore_mem>>) src(%dma_wait3A_511 : memref<216x128xf32, #tpu.memory_space<vmem>>) dst(%dma_wait3A_508 : memref<216x128xf32, #tpu.memory_space<hbm>>)
    } else {
    }
    %dma_wait3A_488 = arith.constant 0 : i32
    %dma_wait3A_489 = tpu.memref_slice %arg4[%add3A_356, %dma_wait3A_488] : memref<50000x128xf32, #tpu.memory_space<hbm>> -> memref<392x128xf32, #tpu.memory_space<hbm>>
    %dma_wait3A_490 = arith.constant 0 : i32
    %dma_wait3A_491 = tpu.memref_slice %arg4[%add3A_356, %dma_wait3A_490] : memref<50000x128xf32, #tpu.memory_space<hbm>> -> memref<392x128xf32, #tpu.memory_space<hbm>>
    tpu.wait_dma2 semaphore(%arg10 : memref<!tpu.dma_semaphore, #tpu.memory_space<semaphore_mem>>) src(%arg7 : memref<392x128xf32, #tpu.memory_space<vmem>>) dst(%dma_wait3A_491 : memref<392x128xf32, #tpu.memory_space<hbm>>)
    return
  }
}

module attributes {stable_mosaic.version = 14 : i64} {
  func.func @_norm_rbf_kernel(%arg0: i32, %arg1: memref<3x3584xf32, #tpu.memory_space<vmem>>, %arg2: memref<50176x3xf32, #tpu.memory_space<vmem>>, %arg3: memref<1x50176xi32, #tpu.memory_space<vmem>>, %arg4: memref<8x128xf32, #tpu.memory_space<vmem>>, %arg5: memref<1x1xf32, #tpu.memory_space<smem>>) attributes {dimension_semantics = [#tpu.dimension_semantics<arbitrary>], iteration_bounds = array<i64: 14>, scalar_prefetch = 0 : i64, scratch_operands = 1 : i64, tpu.core_type = #tpu.core_type<tc>, window_params = [{transform_indices = @transform_0, window_bounds = array<i64: 3, 3584>}, {pipeline_mode = #tpu.pipeline_mode<synchronous>, transform_indices = @transform_1, window_bounds = array<i64: 50176, 3>}, {pipeline_mode = #tpu.pipeline_mode<synchronous>, transform_indices = @transform_2, window_bounds = array<i64: 1, 50176>}, {pipeline_mode = #tpu.pipeline_mode<synchronous>, transform_indices = @transform_3, window_bounds = array<i64: 8, 128>}]} {
    %eq3A = arith.constant 0 : i32
    %eq3A_0 = arith.cmpi eq, %arg0, %eq3A : i32
    %convert_element_type3A = arith.extui %eq3A_0 : i1 to i32
    %cond3A = arith.constant 0 : i32
    %cond3A_1 = arith.cmpi ne, %convert_element_type3A, %cond3A : i32
    scf.if %cond3A_1 {
      %swap3A_74 = arith.constant 0.000000e+00 : f32
      %swap3A_75 = arith.constant 0 : index
      %swap3A_76 = arith.constant 0 : index
      %swap3A_77 = memref.load %arg5[%swap3A_75, %swap3A_76] : memref<1x1xf32, #tpu.memory_space<smem>>
      memref.store %swap3A_74, %arg5[%swap3A_75, %swap3A_76] : memref<1x1xf32, #tpu.memory_space<smem>>
    } else {
    }
    %get3A = arith.constant 0 : index
    %get3A_2 = arith.constant 0 : index
    %get3A_3 = vector.load %arg3[%get3A, %get3A_2] : memref<1x50176xi32, #tpu.memory_space<vmem>>, vector<1x1xi32>
    %get3A_4 = vector.extract %get3A_3[0, 0] : i32 from vector<1x1xi32>
    %get3A_5 = arith.constant 0 : index
    %get3A_6 = arith.constant 0 : index
    %get3A_7 = vector.load %arg3[%get3A_5, %get3A_6] : memref<1x50176xi32, #tpu.memory_space<vmem>>, vector<1x50176xi32>
    %eq3A_8 = vector.broadcast %get3A_4 : i32 to vector<1x50176xi32>
    %eq3A_9 = arith.cmpi eq, %get3A_7, %eq3A_8 : vector<1x50176xi32>
    %convert_element_type3A_10 = arith.extui %eq3A_9 : vector<1x50176xi1> to vector<1x50176xi32>
    %reduce_sum3A = vector.shape_cast %convert_element_type3A_10 : vector<1x50176xi32> to vector<1x1x50176xi32>
    %reduce_sum3A_11 = arith.constant dense<0> : vector<1xi32>
    %reduce_sum3A_12 = vector.multi_reduction <add>, %reduce_sum3A, %reduce_sum3A_11 [1, 2] : vector<1x1x50176xi32> to vector<1xi32>
    %reduce_sum3A_13 = vector.shape_cast %reduce_sum3A_12 : vector<1xi32> to vector<1x1x1xi32>
    %reduce_sum3A_14 = vector.extract %reduce_sum3A_13[0, 0, 0] : i32 from vector<1x1x1xi32>
    %add3A = arith.constant 16 : i32
    %add3A_15 = arith.addi %reduce_sum3A_14, %add3A : i32
    %sub3A = arith.constant 1 : i32
    %sub3A_16 = arith.subi %add3A_15, %sub3A : i32
    %jit3A = arith.constant 16 : i32
    %div3A = arith.divsi %sub3A_16, %jit3A : i32
    %sign3A = arith.constant 0 : i32
    %sign3A_17 = arith.cmpi sgt, %sub3A_16, %sign3A : i32
    %sign3A_18 = arith.extui %sign3A_17 : i1 to i32
    %sign3A_19 = arith.constant 0 : i32
    %sign3A_20 = arith.cmpi slt, %sub3A_16, %sign3A_19 : i32
    %sign3A_21 = arith.extui %sign3A_20 : i1 to i32
    %sign3A_22 = arith.subi %sign3A_18, %sign3A_21 : i32
    %sign3A_23 = arith.constant 0 : i32
    %sign3A_24 = arith.cmpi sgt, %jit3A, %sign3A_23 : i32
    %sign3A_25 = arith.extui %sign3A_24 : i1 to i32
    %sign3A_26 = arith.constant 0 : i32
    %sign3A_27 = arith.cmpi slt, %jit3A, %sign3A_26 : i32
    %sign3A_28 = arith.extui %sign3A_27 : i1 to i32
    %sign3A_29 = arith.subi %sign3A_25, %sign3A_28 : i32
    %ne3A = arith.cmpi ne, %sign3A_22, %sign3A_29 : i32
    %rem3A = arith.remsi %sub3A_16, %jit3A : i32
    %ne3A_30 = arith.constant 0 : i32
    %ne3A_31 = arith.cmpi ne, %rem3A, %ne3A_30 : i32
    %and3A = arith.andi %ne3A, %ne3A_31 : i1
    %sub3A_32 = arith.constant 1 : i32
    %sub3A_33 = arith.subi %div3A, %sub3A_32 : i32
    %select_n3A = arith.select %and3A, %sub3A_33, %div3A : i32
    %convert_element_type3A_34 = arith.sitofp %reduce_sum3A_14 : i32 to f32
    %iota3A = tpu.iota {dimensions = array<i32: 1>} : vector<1x3584xi32>
    %convert_element_type3A_35 = arith.sitofp %iota3A : vector<1x3584xi32> to vector<1x3584xf32>
    %mul3A = arith.constant 3584 : i32
    %mul3A_36 = arith.muli %arg0, %mul3A : i32
    %convert_element_type3A_37 = arith.sitofp %mul3A_36 : i32 to f32
    %add3A_38 = vector.broadcast %convert_element_type3A_37 : f32 to vector<1x3584xf32>
    %add3A_39 = arith.addf %convert_element_type3A_35, %add3A_38 : vector<1x3584xf32>
    %mul3A_40 = arith.mulf %add3A_39, %add3A_39 : vector<1x3584xf32>
    %lt3A = arith.constant 5.000000e+04 : f32
    %lt3A_41 = vector.broadcast %lt3A : f32 to vector<1x3584xf32>
    %lt3A_42 = arith.cmpf olt, %add3A_39, %lt3A_41 : vector<1x3584xf32>
    %get3A_43 = arith.constant 0 : index
    %get3A_44 = arith.constant 0 : index
    %get3A_45 = vector.load %arg1[%get3A_43, %get3A_44] : memref<3x3584xf32, #tpu.memory_space<vmem>>, vector<1x3584xf32>
    %get3A_46 = arith.constant 1 : index
    %get3A_47 = arith.constant 0 : index
    %get3A_48 = vector.load %arg1[%get3A_46, %get3A_47] : memref<3x3584xf32, #tpu.memory_space<vmem>>, vector<1x3584xf32>
    %get3A_49 = arith.constant 2 : index
    %get3A_50 = arith.constant 0 : index
    %get3A_51 = vector.load %arg1[%get3A_49, %get3A_50] : memref<3x3584xf32, #tpu.memory_space<vmem>>, vector<1x3584xf32>
    %while3A = arith.constant 0 : i32
    %while3A_52 = arith.constant 0.000000e+00 : f32
    %while3A_53 = arith.subi %select_n3A, %while3A : i32
    %while3A_54 = arith.addi %while3A, %while3A_53 : i32
    %while3A_55 = arith.constant 1 : i32
    %while3A_56 = arith.divsi %while3A_53, %while3A_55 : i32
    %while3A_57 = arith.muli %while3A_56, %while3A_55 : i32
    %while3A_58 = arith.addi %while3A, %while3A_57 : i32
    %while3A_59 = arith.constant 1 : i32
    %while3A_60 = scf.for %while3A_74 = %while3A to %while3A_58 step %while3A_59 iter_args(%while3A_75 = %while3A_52) -> (f32)  : i32 {
      %mul3A_76 = arith.constant 16 : i32
      %mul3A_77 = arith.muli %while3A_74, %mul3A_76 : i32
      %multiple_of3A = tpu.assume_multiple %mul3A_77, 16 : i32
      %iota3A_78 = tpu.iota {dimensions = array<i32: 0>} : vector<16x1xi32>
      %convert_element_type3A_79 = arith.sitofp %iota3A_78 : vector<16x1xi32> to vector<16x1xf32>
      %convert_element_type3A_80 = arith.sitofp %multiple_of3A : i32 to f32
      %add3A_81 = vector.broadcast %convert_element_type3A_80 : f32 to vector<16x1xf32>
      %add3A_82 = arith.addf %convert_element_type3A_79, %add3A_81 : vector<16x1xf32>
      %get3A_83 = arith.index_cast %multiple_of3A : i32 to index
      %get3A_84 = arith.constant 0 : index
      %get3A_85 = vector.load %arg2[%get3A_83, %get3A_84] : memref<50176x3xf32, #tpu.memory_space<vmem>>, vector<16x1xf32>
      %get3A_86 = arith.index_cast %multiple_of3A : i32 to index
      %get3A_87 = arith.constant 1 : index
      %get3A_88 = vector.load %arg2[%get3A_86, %get3A_87] : memref<50176x3xf32, #tpu.memory_space<vmem>>, vector<16x1xf32>
      %get3A_89 = arith.index_cast %multiple_of3A : i32 to index
      %get3A_90 = arith.constant 2 : index
      %get3A_91 = vector.load %arg2[%get3A_89, %get3A_90] : memref<50176x3xf32, #tpu.memory_space<vmem>>, vector<16x1xf32>
      %sub3A_92 = vector.broadcast %get3A_85 : vector<16x1xf32> to vector<16x3584xf32>
      %sub3A_93 = vector.broadcast %get3A_45 : vector<1x3584xf32> to vector<16x3584xf32>
      %sub3A_94 = arith.subf %sub3A_92, %sub3A_93 : vector<16x3584xf32>
      %sub3A_95 = vector.broadcast %get3A_88 : vector<16x1xf32> to vector<16x3584xf32>
      %sub3A_96 = vector.broadcast %get3A_48 : vector<1x3584xf32> to vector<16x3584xf32>
      %sub3A_97 = arith.subf %sub3A_95, %sub3A_96 : vector<16x3584xf32>
      %sub3A_98 = vector.broadcast %get3A_91 : vector<16x1xf32> to vector<16x3584xf32>
      %sub3A_99 = vector.broadcast %get3A_51 : vector<1x3584xf32> to vector<16x3584xf32>
      %sub3A_100 = arith.subf %sub3A_98, %sub3A_99 : vector<16x3584xf32>
      %mul3A_101 = arith.mulf %sub3A_94, %sub3A_94 : vector<16x3584xf32>
      %mul3A_102 = arith.mulf %sub3A_97, %sub3A_97 : vector<16x3584xf32>
      %add3A_103 = arith.addf %mul3A_101, %mul3A_102 : vector<16x3584xf32>
      %mul3A_104 = arith.mulf %sub3A_100, %sub3A_100 : vector<16x3584xf32>
      %add3A_105 = arith.addf %add3A_103, %mul3A_104 : vector<16x3584xf32>
      %lt3A_106 = arith.constant 2.500000e+01 : f32
      %lt3A_107 = vector.broadcast %lt3A_106 : f32 to vector<16x3584xf32>
      %lt3A_108 = arith.cmpf olt, %add3A_105, %lt3A_107 : vector<16x3584xf32>
      %lt3A_109 = vector.broadcast %convert_element_type3A_34 : f32 to vector<16x1xf32>
      %lt3A_110 = arith.cmpf olt, %add3A_82, %lt3A_109 : vector<16x1xf32>
      %and3A_111 = vector.broadcast %lt3A_110 : vector<16x1xi1> to vector<16x3584xi1>
      %and3A_112 = arith.andi %lt3A_108, %and3A_111 : vector<16x3584xi1>
      %and3A_113 = vector.broadcast %lt3A_42 : vector<1x3584xi1> to vector<16x3584xi1>
      %and3A_114 = arith.andi %and3A_112, %and3A_113 : vector<16x3584xi1>
      %mul3A_115 = arith.mulf %add3A_82, %add3A_82 : vector<16x1xf32>
      %add3A_116 = vector.broadcast %mul3A_40 : vector<1x3584xf32> to vector<16x3584xf32>
      %add3A_117 = vector.broadcast %mul3A_115 : vector<16x1xf32> to vector<16x3584xf32>
      %add3A_118 = arith.addf %add3A_116, %add3A_117 : vector<16x3584xf32>
      %add3A_119 = arith.addf %add3A_118, %add3A_105 : vector<16x3584xf32>
      %jit3A_120 = arith.constant 0.000000e+00 : f32
      %broadcast_in_dim3A = vector.broadcast %jit3A_120 : f32 to vector<16x3584xf32>
      %select_n3A_121 = arith.select %and3A_114, %add3A_119, %broadcast_in_dim3A : vector<16x3584xi1>, vector<16x3584xf32>
      %reduce_sum3A_122 = vector.shape_cast %select_n3A_121 : vector<16x3584xf32> to vector<1x16x3584xf32>
      %reduce_sum3A_123 = arith.constant dense<0.000000e+00> : vector<1xf32>
      %reduce_sum3A_124 = vector.multi_reduction <add>, %reduce_sum3A_122, %reduce_sum3A_123 [1, 2] : vector<1x16x3584xf32> to vector<1xf32>
      %reduce_sum3A_125 = vector.shape_cast %reduce_sum3A_124 : vector<1xf32> to vector<1x1x1xf32>
      %reduce_sum3A_126 = vector.extract %reduce_sum3A_125[0, 0, 0] : f32 from vector<1x1x1xf32>
      %add3A_127 = arith.addf %while3A_75, %reduce_sum3A_126 : f32
      scf.yield %add3A_127 : f32
    }
    %while3A_61 = arith.constant 1 : i32
    %while3A_62 = scf.for %while3A_74 = %while3A_58 to %while3A_54 step %while3A_61 iter_args(%while3A_75 = %while3A_60) -> (f32)  : i32 {
      %mul3A_76 = arith.constant 16 : i32
      %mul3A_77 = arith.muli %while3A_74, %mul3A_76 : i32
      %multiple_of3A = tpu.assume_multiple %mul3A_77, 16 : i32
      %iota3A_78 = tpu.iota {dimensions = array<i32: 0>} : vector<16x1xi32>
      %convert_element_type3A_79 = arith.sitofp %iota3A_78 : vector<16x1xi32> to vector<16x1xf32>
      %convert_element_type3A_80 = arith.sitofp %multiple_of3A : i32 to f32
      %add3A_81 = vector.broadcast %convert_element_type3A_80 : f32 to vector<16x1xf32>
      %add3A_82 = arith.addf %convert_element_type3A_79, %add3A_81 : vector<16x1xf32>
      %get3A_83 = arith.index_cast %multiple_of3A : i32 to index
      %get3A_84 = arith.constant 0 : index
      %get3A_85 = vector.load %arg2[%get3A_83, %get3A_84] : memref<50176x3xf32, #tpu.memory_space<vmem>>, vector<16x1xf32>
      %get3A_86 = arith.index_cast %multiple_of3A : i32 to index
      %get3A_87 = arith.constant 1 : index
      %get3A_88 = vector.load %arg2[%get3A_86, %get3A_87] : memref<50176x3xf32, #tpu.memory_space<vmem>>, vector<16x1xf32>
      %get3A_89 = arith.index_cast %multiple_of3A : i32 to index
      %get3A_90 = arith.constant 2 : index
      %get3A_91 = vector.load %arg2[%get3A_89, %get3A_90] : memref<50176x3xf32, #tpu.memory_space<vmem>>, vector<16x1xf32>
      %sub3A_92 = vector.broadcast %get3A_85 : vector<16x1xf32> to vector<16x3584xf32>
      %sub3A_93 = vector.broadcast %get3A_45 : vector<1x3584xf32> to vector<16x3584xf32>
      %sub3A_94 = arith.subf %sub3A_92, %sub3A_93 : vector<16x3584xf32>
      %sub3A_95 = vector.broadcast %get3A_88 : vector<16x1xf32> to vector<16x3584xf32>
      %sub3A_96 = vector.broadcast %get3A_48 : vector<1x3584xf32> to vector<16x3584xf32>
      %sub3A_97 = arith.subf %sub3A_95, %sub3A_96 : vector<16x3584xf32>
      %sub3A_98 = vector.broadcast %get3A_91 : vector<16x1xf32> to vector<16x3584xf32>
      %sub3A_99 = vector.broadcast %get3A_51 : vector<1x3584xf32> to vector<16x3584xf32>
      %sub3A_100 = arith.subf %sub3A_98, %sub3A_99 : vector<16x3584xf32>
      %mul3A_101 = arith.mulf %sub3A_94, %sub3A_94 : vector<16x3584xf32>
      %mul3A_102 = arith.mulf %sub3A_97, %sub3A_97 : vector<16x3584xf32>
      %add3A_103 = arith.addf %mul3A_101, %mul3A_102 : vector<16x3584xf32>
      %mul3A_104 = arith.mulf %sub3A_100, %sub3A_100 : vector<16x3584xf32>
      %add3A_105 = arith.addf %add3A_103, %mul3A_104 : vector<16x3584xf32>
      %lt3A_106 = arith.constant 2.500000e+01 : f32
      %lt3A_107 = vector.broadcast %lt3A_106 : f32 to vector<16x3584xf32>
      %lt3A_108 = arith.cmpf olt, %add3A_105, %lt3A_107 : vector<16x3584xf32>
      %lt3A_109 = vector.broadcast %convert_element_type3A_34 : f32 to vector<16x1xf32>
      %lt3A_110 = arith.cmpf olt, %add3A_82, %lt3A_109 : vector<16x1xf32>
      %and3A_111 = vector.broadcast %lt3A_110 : vector<16x1xi1> to vector<16x3584xi1>
      %and3A_112 = arith.andi %lt3A_108, %and3A_111 : vector<16x3584xi1>
      %and3A_113 = vector.broadcast %lt3A_42 : vector<1x3584xi1> to vector<16x3584xi1>
      %and3A_114 = arith.andi %and3A_112, %and3A_113 : vector<16x3584xi1>
      %mul3A_115 = arith.mulf %add3A_82, %add3A_82 : vector<16x1xf32>
      %add3A_116 = vector.broadcast %mul3A_40 : vector<1x3584xf32> to vector<16x3584xf32>
      %add3A_117 = vector.broadcast %mul3A_115 : vector<16x1xf32> to vector<16x3584xf32>
      %add3A_118 = arith.addf %add3A_116, %add3A_117 : vector<16x3584xf32>
      %add3A_119 = arith.addf %add3A_118, %add3A_105 : vector<16x3584xf32>
      %jit3A_120 = arith.constant 0.000000e+00 : f32
      %broadcast_in_dim3A = vector.broadcast %jit3A_120 : f32 to vector<16x3584xf32>
      %select_n3A_121 = arith.select %and3A_114, %add3A_119, %broadcast_in_dim3A : vector<16x3584xi1>, vector<16x3584xf32>
      %reduce_sum3A_122 = vector.shape_cast %select_n3A_121 : vector<16x3584xf32> to vector<1x16x3584xf32>
      %reduce_sum3A_123 = arith.constant dense<0.000000e+00> : vector<1xf32>
      %reduce_sum3A_124 = vector.multi_reduction <add>, %reduce_sum3A_122, %reduce_sum3A_123 [1, 2] : vector<1x16x3584xf32> to vector<1xf32>
      %reduce_sum3A_125 = vector.shape_cast %reduce_sum3A_124 : vector<1xf32> to vector<1x1x1xf32>
      %reduce_sum3A_126 = vector.extract %reduce_sum3A_125[0, 0, 0] : f32 from vector<1x1x1xf32>
      %add3A_127 = arith.addf %while3A_75, %reduce_sum3A_126 : f32
      scf.yield %add3A_127 : f32
    }
    %get3A_63 = arith.constant 0 : index
    %get3A_64 = arith.constant 0 : index
    %get3A_65 = memref.load %arg5[%get3A_63, %get3A_64] : memref<1x1xf32, #tpu.memory_space<smem>>
    %add3A_66 = arith.addf %get3A_65, %while3A_62 : f32
    %swap3A = arith.constant 0 : index
    %swap3A_67 = arith.constant 0 : index
    %swap3A_68 = memref.load %arg5[%swap3A, %swap3A_67] : memref<1x1xf32, #tpu.memory_space<smem>>
    memref.store %add3A_66, %arg5[%swap3A, %swap3A_67] : memref<1x1xf32, #tpu.memory_space<smem>>
    %eq3A_69 = arith.constant 13 : i32
    %eq3A_70 = arith.cmpi eq, %arg0, %eq3A_69 : i32
    %convert_element_type3A_71 = arith.extui %eq3A_70 : i1 to i32
    %cond3A_72 = arith.constant 0 : i32
    %cond3A_73 = arith.cmpi ne, %convert_element_type3A_71, %cond3A_72 : i32
    scf.if %cond3A_73 {
      %get3A_74 = arith.constant 0 : index
      %get3A_75 = arith.constant 0 : index
      %get3A_76 = memref.load %arg5[%get3A_74, %get3A_75] : memref<1x1xf32, #tpu.memory_space<smem>>
      %sqrt3A = math.sqrt %get3A_76 : f32
      %iota3A_77 = tpu.iota {dimensions = array<i32: 1>} : vector<8x128xi32>
      %convert_element_type3A_78 = arith.sitofp %iota3A_77 : vector<8x128xi32> to vector<8x128xf32>
      %add3A_79 = arith.constant 1.000000e+00 : f32
      %add3A_80 = vector.broadcast %add3A_79 : f32 to vector<8x128xf32>
      %add3A_81 = arith.addf %convert_element_type3A_78, %add3A_80 : vector<8x128xf32>
      %mul3A_82 = arith.constant 0.628318548 : f32
      %mul3A_83 = vector.broadcast %mul3A_82 : f32 to vector<8x128xf32>
      %mul3A_84 = arith.mulf %add3A_81, %mul3A_83 : vector<8x128xf32>
      %mul3A_85 = vector.broadcast %sqrt3A : f32 to vector<8x128xf32>
      %mul3A_86 = arith.mulf %mul3A_84, %mul3A_85 : vector<8x128xf32>
      %sin3A = math.sin %mul3A_86 : vector<8x128xf32>
      %div3A_87 = vector.broadcast %sqrt3A : f32 to vector<8x128xf32>
      %div3A_88 = arith.divf %sin3A, %div3A_87 : vector<8x128xf32>
      %swap3A_89 = arith.constant 0 : index
      %swap3A_90 = arith.constant 0 : index
      %swap3A_91 = vector.load %arg4[%swap3A_89, %swap3A_90] : memref<8x128xf32, #tpu.memory_space<vmem>>, vector<8x128xf32>
      tpu.vector_store %arg4[%swap3A_89, %swap3A_90], %div3A_88 {strides = array<i32>} : memref<8x128xf32, #tpu.memory_space<vmem>>, vector<8x128xf32>,
    } else {
    }
    return
  }
  func.func @transform_0(%arg0: i32) -> (i32, i32) {
    %c0_i32 = arith.constant 0 : i32
    %c0_i32_0 = arith.constant 0 : i32
    return %c0_i32, %arg0 : i32, i32
  }
  func.func @transform_1(%arg0: i32) -> (i32, i32) {
    %c0_i32 = arith.constant 0 : i32
    %c0_i32_0 = arith.constant 0 : i32
    %c0_i32_1 = arith.constant 0 : i32
    return %c0_i32, %c0_i32_0 : i32, i32
  }
  func.func @transform_2(%arg0: i32) -> (i32, i32) {
    %c0_i32 = arith.constant 0 : i32
    %c0_i32_0 = arith.constant 0 : i32
    %c0_i32_1 = arith.constant 0 : i32
    return %c0_i32, %c0_i32_0 : i32, i32
  }
  func.func @transform_3(%arg0: i32) -> (i32, i32) {
    %c0_i32 = arith.constant 0 : i32
    %c0_i32_0 = arith.constant 0 : i32
    %c0_i32_1 = arith.constant 0 : i32
    return %c0_i32, %c0_i32_0 : i32, i32
  }
}

</mosaic_0001>

<sc_bundles>
// kernel: kernel.4.cloned.1.call-start
scs
__scs_entry_jumppad:
0x0: {  	(pc) =	sbr.rel $0x88, $3  }
0x1: {  	(tag) =	ssettag $0x0;
	lr =	simm.s32 $0x1  }
0x2: {  	[smem:$0x3F9D] =	sst lr;
	_ =	strace $0xD0000000  }
0x3: {  	_ = 	snop  }
0x4: {  	_ = 	snop  }
0x5: {  	_ = 	snop  }
0x6: {  	_ = 	snop  }
0x7: {  	_ = 	snop  }
__scs_overlays_trampoline_lowered:
0x8: {  	[smem:$0x3FAC] =	sst s0  }
0x9: {  	[smem:$0x3FAD] =	sst s1  }
0xa: {  	[smem:$0x3FAE] =	sst s2  }
0xb: {  	[smem:$0x3FAF] =	sst s3  }
0xc: {  	[smem:$0x3FB0] =	sst s4  }
0xd: {  	[smem:$0x3FB1] =	sst s5  }
0xe: {  	[smem:$0x3FB2] =	sst s6  }
0xf: {  	[smem:$0x3FB3] =	sst s7  }
0x10: {  	[smem:$0x3FB4] =	sst s8  }
0x11: {  	[smem:$0x3FB5] =	sst s9;
	s0 =	simm.s32 @!p0 $0x0  }
0x12: {  	s1 =	sld [smem:$0x3F9B];
	s0 =	simm.s32 @p0 $0x1  }
0x13: {  	[smem:$0x3FB6] =	sst s0;
	s0 =	simm.s32 @!p1 $0x0  }
0x14: {  	s2 =	sld [smem:$0x3F9A];
	s0 =	simm.s32 @p1 $0x1  }
0x15: {  	[smem:$0x3FB7] =	sst s0;
	s0 =	simm.s32 @!p2 $0x0  }
0x16: {  	s3 =	sld [smem:$0x3FDB];
	s0 =	simm.s32 @p2 $0x1  }
0x17: {  	s4 =	simm.s32 $0x1BF5;
	[smem:$0x3FB9] =	sst s0  }
0x18: {  	s0 =	sld [smem:$0x3F9C];
	_ =	swait.ge [sflag:s4], $0x0  }
0x19: {  	s7 =	sld [smem:$0x3F9D]  }
0x1a: {  	s8 =	sadd.s32 $0xFFFFE003, lr  }
0x1b: {  	s9 =	sadd.s32 $0xFFFFFEF7, lr;
	s5 =	simm.s32 $0xFFFFFFFF;
	p2 =	slt.u32 s8, $0xFFFFF086  }
0x1c: {  	p1 =	slt.u32 s9, $0xF7A;
	s5 =	simm.s32 @!p2 $0x0  }
0x1d: {  	s5 =	simm.s32 @p1 $0x1;
	p0 =	seq.s32 s7, s2  }
0x1e: {  	s7 =	smul.u32 @!p0 $0xF7A, s2;
	p2 =	seq.s32 @!p0 s5, $0x0  }
0x1f: {  	s9 =	smul.u32 $0xF7A, s1;
	s8 =	simm.s32 @!p0 $0x1BF5;
	p2 =	por !p2, p0  }
0x20: {  	[sflag:s8] =	ssyncset.s32 @!p0 $0xFFFFF086;
	s6 =	sadd.s32 @!p0 s3, s7;
	s7 =	simm.s32 @!p0 $0x108  }
0x21: {  	s3 =	sadd.s32 s3, s9;
	s6 =	sadd.s32 @!p0 $0x88, s6;
	s7 =	simm.s32 @p2 $0x1082  }
0x22: {  	[simem:s7], [sflag:s8] =	dma.local @!p0 [hbm:s6], $0xF7A  }
0x23: {  	s9 =	sor.u32 $0xD0000000, s2;
	s6 =	simm.s32 $0x108;
	_ =	swait.ge @!p0 [sflag:s8], $0x0  }
0x24: {  	s3 =	sadd.s32 $0x88, s3;
	s6 =	simm.s32 @!p1 $0x1082;
	[sflag:s4] =	ssyncset.s32 $0xFFFFF086  }
0x25: {  	[simem:s6], [sflag:s4] =	dma.local [hbm:s3], $0xF7A  }
0x26: {  	[smem:$0x3F9D] =	sst s1;
	(tag) =	ssettag s2;
	_ =	strace s9  }
0x27: {  	s1 =	sld [smem:$0x3FAD]  }
0x28: {  	s2 =	sld [smem:$0x3FAE]  }
0x29: {  	s4 =	sld [smem:$0x3FB0]  }
0x2a: {  	p0 =	seq.s32 s5, $0x0;
	s5 =	sld [smem:$0x3FB1]  }
0x2b: {  	s6 =	sld [smem:$0x3FB2]  }
0x2c: {  	s7 =	sld [smem:$0x3FB3]  }
0x2d: {  	s3 =	simm.s32 $0x108;
	s8 =	sld [smem:$0x3FB4]  }
0x2e: {  	s3 =	simm.s32 @!p0 $0x1082;
	s9 =	sld [smem:$0x3FB5]  }
0x2f: {  	lr =	sadd.s32 s0, s3;
	s0 =	sld [smem:$0x3FAC]  }
0x30: {  	s3 =	sld [smem:$0x3FAF]  }
0x31: {  	[smem:$0x3FB8] =	sst s10  }
0x32: {  	s10 =	sld [smem:$0x3FB6];
	_ =	sdelay $0x3  }
0x33: {  	p0 =	seq.s32 s10, $0x1;
	s10 =	sld [smem:$0x3FB8];
	_ =	sdelay $0x3  }
0x34: {  	[smem:$0x3FB8] =	sst s10  }
0x35: {  	s10 =	sld [smem:$0x3FB7];
	_ =	sdelay $0x3  }
0x36: {  	p1 =	seq.s32 s10, $0x1;
	s10 =	sld [smem:$0x3FB8];
	_ =	sdelay $0x3  }
0x37: {  	[smem:$0x3FB8] =	sst s10  }
0x38: {  	s10 =	sld [smem:$0x3FB9]  }
0x39: {  	_ = 	snop;
	(pc) =	sbr.ind lr, $3  }
0x3a: {  	_ = 	snop  }
0x3b: {  	_ = 	snop  }
0x3c: {  	p2 =	seq.s32 s10, $0x1;
	s10 =	sld [smem:$0x3FB8]  }
0x3d: {  	_ =	shalt  }
0x3e: {  	_ =	shalt  }
0x3f: {  	_ =	shalt  }
0x40: {  	_ =	shalt  }
0x41: {  	_ =	shalt  }
0x42: {  	_ =	shalt  }
0x43: {  	_ =	shalt  }
0x44: {  	_ =	shalt  }
0x45: {  	_ =	shalt  }
0x46: {  	_ =	shalt  }
0x47: {  	_ =	shalt  }
0x48: {  	_ =	shalt  }
0x49: {  	_ =	shalt  }
0x4a: {  	_ =	shalt  }
0x4b: {  	_ =	shalt  }
0x4c: {  	_ =	shalt  }
0x4d: {  	_ =	shalt  }
0x4e: {  	_ =	shalt  }
0x4f: {  	_ =	shalt  }
0x50: {  	_ =	shalt  }
0x51: {  	_ =	shalt  }
0x52: {  	_ =	shalt  }
0x53: {  	_ =	shalt  }
0x54: {  	_ =	shalt  }
0x55: {  	_ =	shalt  }
0x56: {  	_ =	shalt  }
0x57: {  	_ =	shalt  }
0x58: {  	_ =	shalt  }
0x59: {  	_ =	shalt  }
0x5a: {  	_ =	shalt  }
0x5b: {  	_ =	shalt  }
0x5c: {  	_ =	shalt  }
0x5d: {  	_ =	shalt  }
0x5e: {  	_ =	shalt  }
0x5f: {  	_ =	shalt  }
0x60: {  	_ =	shalt  }
0x61: {  	_ =	shalt  }
0x62: {  	_ =	shalt  }
0x63: {  	_ =	shalt  }
0x64: {  	_ =	shalt  }
0x65: {  	_ =	shalt  }
0x66: {  	_ =	shalt  }
0x67: {  	_ =	shalt  }
0x68: {  	_ =	shalt  }
0x69: {  	_ =	shalt  }
0x6a: {  	_ =	shalt  }
0x6b: {  	_ =	shalt  }
0x6c: {  	_ =	shalt  }
0x6d: {  	_ =	shalt  }
0x6e: {  	_ =	shalt  }
0x6f: {  	_ =	shalt  }
0x70: {  	_ =	shalt  }
0x71: {  	_ =	shalt  }
0x72: {  	_ =	shalt  }
0x73: {  	_ =	shalt  }
0x74: {  	_ =	shalt  }
0x75: {  	_ =	shalt  }
0x76: {  	_ =	shalt  }
0x77: {  	_ =	shalt  }
0x78: {  	_ =	shalt  }
0x79: {  	_ =	shalt  }
0x7a: {  	_ =	shalt  }
0x7b: {  	_ =	shalt  }
0x7c: {  	_ =	shalt  }
0x7d: {  	_ =	shalt  }
0x7e: {  	_ =	shalt  }
0x7f: {  	_ =	shalt  }
0x80: {  	_ =	shalt  }
0x81: {  	_ =	shalt  }
0x82: {  	_ =	shalt  }
0x83: {  	_ =	shalt  }
0x84: {  	_ =	shalt  }
0x85: {  	_ =	shalt  }
0x86: {  	_ =	shalt  }
0x87: {  	_ =	shalt  }
.Lfunc_end0:
.L_simem_size_0:
called_computation_lowered:
.L_overlay_start_0:
0x88: {  	s2 =	sld [smem:$0x3FD9]  }
0x89: {  	s3 =	sld [smem:$0x3FFE];
	_ =	sdelay $0x1  }
0x8a: {  	s1 =	srdreg.scid  }
0x8b: {  	s0 =	sand.u32 $0x1, s1  }
0x8c: {  	s17 =	sshll.u32 s0, $0xA;
	s2 =	sadd.s32 s3, s2  }
0x8d: {  	s2 =	sadd.s32 s2, s17  }
0x8e: {  	[smem:$0x3FC4] =	sst s2  }
0x8f: {  	_ = 	snop  }
0x90: {  	s2 =	sld [smem:$0x3FC6];
	(tm) =	ssettm $0x1  }
0x91: {  	s18 =	sld [smem:$0x3FFB];
	_ =	sdelay $0x3  }
0x92: {  	_ =	strace s18  }
0x93: {  	s3 =	sld [smem:$0x3FFC];
	_ =	sdelay $0x3  }
0x94: {  	_ =	strace s3  }
0x95: {  	s3 =	sld [smem:$0x3FFD];
	_ =	sdelay $0x3  }
0x96: {  	_ =	strace s3  }
0x97: {  	_ =	strace $0x8FFFFFFF  }
0x98: {  	s19 =	sld [smem:$0x3FDB];
	_ =	sdelay $0x1  }
0x99: {  	s4 =	simm.s32 $_scs_section_size  }
0x9a: {  	s5 =	simm.s32 $_size__tile_overlayer_lowered;
	s6 =	simm.s32 $_tile_overlayer_lowered  }
0x9b: {  	s22 =	simm.s32 $0x1BFF;
	s21 =	sshll.u32 s6, $0x1;
	s3 =	sadd.s32 s4, s19  }
0x9c: {  	s7 =	simm.s32 $0x0;
	s20 =	sshll.u32 s5, $0x1;
	s5 =	sadd.s32 s21, s3  }
0x9d: {  	[timem:s7], [sflag:s22] =	dma.local [hbm:s5], s20  }
0x9e: {  	_ =	swait.ge [sflag:s22], s20  }
0x9f: {  	s4 =	ssub.s32 $0x0, s20;
	[sflag:s22] =	ssyncset.done $0x0  }
0xa0: {  	[sflag:s22] =	ssyncadd.s32 s4;
	_ =	sdelay $0x1  }
0xa1: {  	s23 =	simm.s32 $0x1B8B  }
0xa2: {  	_ =	swait.ge [sflag:s23], $0x1  }
0xa3: {  	[sflag:s23] =	ssyncset.done $0x0  }
0xa4: {  	s25 =	simm.s32 $0x1B8E;
	s24 =	sld [smem:$0x3FFE];
	[sflag:s23] =	ssyncadd.s32 $0xFFFFFFFF  }
0xa5: {  	s26 =	simm.s32 $execute0_lowered;
	[smem:$0x3FD2] =	sst s25  }
0xa6: {  	s5 =	sshll.u32 s26, $0x1;
	_ =	strace $0x80000046;
	[dreg:$0x1] =	wrdreg $0xFFFFFFFF  }
0xa7: {  	s28 =	simm.s32 $_size_execute0_lowered;
	s3 =	sadd.s32 s3, s5;
	[dreg:$0x0] =	wrdreg $0x0  }
0xa8: {  	s5 =	sshll.u32 s28, $0x1;
	[dreg:$0x2] =	wrdreg s3  }
0xa9: {  	[dreg:$0x3] =	wrdreg s5  }
0xaa: {  	[dreg:$0x4] =	wrdreg $0xC0  }
0xab: {  	_ =	task [dreg:s7], $0x5FFFF  }
0xac: {  	[dreg:$0x1] =	wrdreg $0xFFFFFFFF  }
0xad: {  	[dreg:$0x0] =	wrdreg $0x60  }
0xae: {  	[dreg:$0x2] =	wrdreg s2  }
0xaf: {  	[dreg:$0x3] =	wrdreg s24  }
0xb0: {  	[dreg:$0x4] =	wrdreg $0x6800  }
0xb1: {  	[dreg:$0x5] =	wrdreg $0x9  }
0xb2: {  	_ =	task.clear_ibuf [dreg:s7], $0x6FFFF;
	_ =	strace $0x90000046  }
0xb3: {  	s29 =	simm.s32 $0x9;
	_ =	strace $0x80000048  }
0xb4: {  	_ =	swait.ge [sflag:s29], $0x1  }
0xb5: {  	[sflag:s29] =	ssyncadd.s32 $0xFFFFFFFF  }
0xb6: {  	_ =	strace $0x90000048  }
0xb7: {  	_ =	sfence  }
0xb8: {  	s30 =	sld [smem:$0x0];
	_ =	sdelay $0x2  }
0xb9: {  	s31 =	sshll.u32 s1, $0xD;
	s1 =	sshrl.u32 s1, $0x2  }
0xba: {  	s3 =	sand.u32 $0x4000, s31;
	s1 =	sadd.s32 s1, s30  }
0xbb: {  	s0 =	sor.u32 s3, s0;
	s1 =	sshll.u32 s1, $0x11  }
0xbc: {  	s0 =	sor.u32 s1, s0  }
0xbd: {  	s0 =	sadd.s32 $0x8F2B, s0  }
0xbe: {  	[sflag:s0] =	ssyncadd.remote.s32 $0x1  }
0xbf: {  	_ =	sfence.sel $0xFFFF  }
0xc0: {  	[dreg:$0x0] =	wrdreg $0xFFFFFFFF;
	(pc) =	sbr.abs _section_cstart, $3  }
0xc1: {  	[dreg:$0x1] =	wrdreg $0xFFFFFFFF  }
0xc2: {  	_ =	task.clear_ibuf [dreg:s7], $0x2FFFF;
	_ =	strace $0x9FFFFFFF  }
0xc3: {  	(tm) =	ssettm $0x7FFFFFFF  }
tec
execute0_lowered:
.L_overlay_start_1:
0x0: {  	(tag) =	ssettag $0x1  }
0x1: {  	s0 =	rddreg [dreg:$0x0]  }
0x2: {  	s4 =	rddreg [dreg:$0x1]  }
0x3: {  	s16 =	srdreg.scid;
	s1 =	rddreg [dreg:$0x2]  }
0x4: {  	s3 =	stileid.u32;
	s24 =	rddreg [dreg:$0x3]  }
0x5: {  	[dreg:$0x4] =	wrdreg s0;
	s0 =	sand.u32 $0x1, s16;
	s2 =	sshll.u32 s3, $0x1  }
0x6: {  	p0 =	sne.s32 s3, $0x0;
	s5 =	sor.u32 s0, s2;
	s2 =	simm.s32 $0x0  }
0x7: {  	s3 =	sshrl.u32 @!p0 s1, $0x3;
	[smem:$0x7FF] =	sst s2  }
0x8: {  	s21 =	simm.s32 $0x70;
	_ =	strace $0x80000047;
	[dreg:$0xa] =	wrdreg s3  }
0x9: {  	s22 =	simm.s32 $0xA8;
	s23 =	simm.s32 $0xE0;
	[dreg:$0xb] =	wrdreg s21  }
0xa: {  	s26 =	simm.s32 $0x118;
	s28 =	simm.s32 $0x150;
	[dreg:$0xc] =	wrdreg s22  }
0xb: {  	s29 =	simm.s32 $0x188;
	s30 =	simm.s32 $0x1C0;
	[dreg:$0xd] =	wrdreg s23  }
0xc: {  	s31 =	simm.s32 $0x1F8;
	s14 =	simm.s32 $0x25A0;
	[dreg:$0xe] =	wrdreg s26  }
0xd: {  	s10 =	simm.s32 $0x310;
	s6 =	smul.u32 $0xC4, s5;
	[dreg:$0xf] =	wrdreg s28  }
0xe: {  	s11 =	simm.s32 $0x348;
	s7 =	smul.u32 $0x31000, s5;
	[dreg:$0x10] =	wrdreg s29  }
0xf: {  	s12 =	simm.s32 $0x380;
	s9 =	smul.u32 $0x6200, s5;
	[dreg:$0x11] =	wrdreg s30  }
0x10: {  	p1 =	seq.s32 s5, $0x1F;
	s5 =	simm.s32 $0x230;
	[dreg:$0x12] =	wrdreg s31  }
0x11: {  	s13 =	simm.s32 $0x3B8;
	s15 =	simm.s32 $0x3F0;
	[dreg:$0x13] =	wrdreg s5  }
0x12: {  	p2 =	por $0x0, $0x0;
	s0 =	ssub.s32 $0x2, s0;
	[dreg:$0x17] =	wrdreg s10  }
0x13: {  	s8 =	sadd.s32 $0x2400, s4;
	s25 =	sshrl.u32 s0, $0x1;
	[dreg:$0x18] =	wrdreg s11  }
0x14: {  	s16 =	simm.s32 $0x41A0;
	s0 =	ssub.s32 s0, s25;
	[dreg:$0x19] =	wrdreg s12  }
0x15: {  	s22 =	simm.s32 $0x3;
	s3 =	simm.s32 $0x38;
	[dreg:$0x1a] =	wrdreg s13  }
0x16: {  	s21 =	simm.s32 $0xB1A0;
	[dreg:$0x1b] =	wrdreg s15;
	s23 =	simm.s32 $0x428  }
0x17: {  	s25 =	simm.s32 $0x460;
	s26 =	simm.s32 $0x498;
	[dreg:$0x1c] =	wrdreg s23  }
0x18: {  	s10 =	simm.s32 $0x121A0;
	s28 =	simm.s32 $0x4D0;
	[dreg:$0x1d] =	wrdreg s25  }
0x19: {  	s11 =	simm.s32 $0x13DA0;
	s29 =	simm.s32 $0x508;
	[dreg:$0x1e] =	wrdreg s26  }
0x1a: {  	s12 =	simm.s32 $0x159A0;
	s30 =	simm.s32 $0x540;
	[dreg:$0x1f] =	wrdreg s28  }
0x1b: {  	s13 =	simm.s32 $0x175A0;
	s31 =	simm.s32 $0x578;
	[smem:$0x7FA] =	sst s29  }
0x1c: {  	s15 =	simm.s32 $0x5B0;
	s5 =	simm.s32 $0x2;
	[smem:$0x7FB] =	sst s30  }
0x1d: {  	s6 =	sadd.s32 s6, s4;
	s7 =	sshrl.u32 s7, $0x3;
	[smem:$0x7FC] =	sst s31  }
0x1e: {  	s20 =	sadd.s32 s8, s9;
	s4 =	sadd.s32 $0xC4B80, s4;
	[smem:$0x7FD] =	sst s15  }
0x1f: {  	s0 =	smax.u32 s0, $0x1;
	s9 =	simm.s32 $0x2D8;
	s15 =	rddreg [dreg:$0xa]  }
0x20: {  	s26 =	simm.s32 $0x5E8;
	s6 =	sadd.s32 $0xA00, s6;
	[dreg:$0x9] =	wrdreg s4  }
0x21: {  	s7 =	sadd.s32 s8, s7;
	s19 =	sadd.s32 $0x4980, s20;
	[dreg:$0x16] =	wrdreg s9  }
0x22: {  	s8 =	simm.s32 $0x2A0;
	s0 =	sadd.s32 $0xFFFFFFFF, s0;
	[dreg:$0x5] =	wrdreg s6  }
0x23: {  	s4 =	simm.s32 $0x1;
	[dreg:$0x8] =	wrdreg s19;
	p3 =	sne.s32 s0, $0x0  }
.Ltmp0:
0x24: {  	s17 =	sadd.s32 $0x1880, s7;
	[dreg:$0x15] =	wrdreg s8;
	(pc) =	sbr.rel @!p3 .LBB2_5-.Ltmp0, $4  }
0x25: {  	s9 =	simm.s32 $0x105A0;
	s18 =	sadd.s32 $0x3100, s7;
	[dreg:$0x6] =	wrdreg s17  }
0x26: {  	s6 =	simm.s32 $0x9A0;
	s7 =	simm.s32 $0x268;
	[dreg:$0x7] =	wrdreg s18  }
0x27: {  	s19 =	simm.s32 $0x95A0;
	s8 =	simm.s32 $0xE9A0;
	[dreg:$0x14] =	wrdreg s7  }
0x28: {  	s17 =	simm.s32 $0x5DA0;
	s18 =	simm.s32 $0x79A0;
	s7 =	simm.s32 $0xCDA0  }
0x29: {  	s25 =	rddreg [dreg:$0x4];
	s23 =	simm.s32 @!p0 $0x1C03;
	s24 =	simm.s32 @!p0 $0x3  }
0x2a: {  	[spmem:s15], [sflag:s23] =	dma.local @!p0 [hbm:s25], $0x640  }
0x2b: {  	_ =	swait.ge @!p0 [sflag:s24], $0x640  }
0x2c: {  	[sflag:s24] =	ssyncset.done @!p0 $0x0  }
0x2d: {  	s25 =	rddreg [dreg:$0x5];
	[sflag:s24] =	ssyncadd.s32 @!p0 $0xFFFFF9C0  }
0x2e: {  	[tilespmem:s2], [sflag:$0x3] =	stream.linear.gather [hbm4b:s25+s2], $0x620, $0x38;
	[tilespmem:$0x191A0] =	vst v63  }
0x2f: {  	_ =	swait.ge [sflag:s22], $0x620  }
0x30: {  	[sflag:s22] =	ssyncset.done $0x0  }
0x31: {  	[sflag:s22] =	ssyncadd.s32 $0xFFFFF9E0  }
0x32: {  	[bflag:$0x0] =	sbarrier.arrive $0xFFFF  }
0x33: {  	[tilespmem:s6], [sflag:$0x1] =	stream.indirect.gather [spmem:s1], $0x80, s2, s3, $0xb8;
	[tilespmem:$0x191A0] =	vst v63  }
0x34: {  	_ = 	snop  }
0x35: {  	[tilespmem:s14], [sflag:$0x1] =	stream.indirect.gather [spmem:s1], $0x80, s3, s3, $0xb8;
	[tilespmem:$0x191A0] =	vst v63  }
0x36: {  	s23 =	rddreg [dreg:$0xb]  }
0x37: {  	[tilespmem:s16], [sflag:$0x1] =	stream.indirect.gather [spmem:s1], $0x80, s23, s3, $0xb8;
	[tilespmem:$0x191A0] =	vst v63  }
0x38: {  	s25 =	rddreg [dreg:$0xc]  }
0x39: {  	[tilespmem:s17], [sflag:$0x1] =	stream.indirect.gather [spmem:s1], $0x80, s25, s3, $0xb8;
	[tilespmem:$0x191A0] =	vst v63  }
0x3a: {  	s23 =	rddreg [dreg:$0xd]  }
0x3b: {  	[tilespmem:s18], [sflag:$0x1] =	stream.indirect.gather [spmem:s1], $0x80, s23, s3, $0xb8;
	[tilespmem:$0x191A0] =	vst v63  }
0x3c: {  	s25 =	rddreg [dreg:$0xe]  }
0x3d: {  	[tilespmem:s19], [sflag:$0x1] =	stream.indirect.gather [spmem:s1], $0x80, s25, s3, $0xb8;
	[tilespmem:$0x191A0] =	vst v63  }
0x3e: {  	s23 =	rddreg [dreg:$0xf]  }
0x3f: {  	[tilespmem:s21], [sflag:$0x1] =	stream.indirect.gather [spmem:s1], $0x80, s23, s3, $0xb8;
	[tilespmem:$0x191A0] =	vst v63  }
0x40: {  	_ =	swait.ge [sflag:s4], $0x1C00  }
0x41: {  	[sflag:s4] =	ssyncset.done $0x0  }
0x42: {  	[sflag:s4] =	ssyncadd.s32 $0xFFFFE400  }
0x43: {  	_ =	swait.ge [sflag:s4], $0x1C00  }
0x44: {  	[sflag:s4] =	ssyncset.done $0x0  }
0x45: {  	[sflag:s4] =	ssyncadd.s32 $0xFFFFE400  }
0x46: {  	_ =	swait.ge [sflag:s4], $0x1C00  }
0x47: {  	[sflag:s4] =	ssyncset.done $0x0  }
0x48: {  	[sflag:s4] =	ssyncadd.s32 $0xFFFFE400  }
0x49: {  	_ =	swait.ge [sflag:s4], $0x1C00  }
0x4a: {  	[sflag:s4] =	ssyncset.done $0x0  }
0x4b: {  	[sflag:s4] =	ssyncadd.s32 $0xFFFFE400  }
0x4c: {  	_ =	swait.ge [sflag:s4], $0x1C00  }
0x4d: {  	[sflag:s4] =	ssyncset.done $0x0  }
0x4e: {  	[sflag:s4] =	ssyncadd.s32 $0xFFFFE400  }
0x4f: {  	_ =	swait.ge [sflag:s4], $0x1C00  }
0x50: {  	[sflag:s4] =	ssyncset.done $0x0  }
0x51: {  	[sflag:s4] =	ssyncadd.s32 $0xFFFFE400  }
0x52: {  	_ =	swait.ge [sflag:s4], $0x1C00  }
0x53: {  	[sflag:s4] =	ssyncset.done $0x0  }
0x54: {  	[sflag:s4] =	ssyncadd.s32 $0xFFFFE400  }
0x55: {  	[hbm4b:s20+s2] =	stream.linear.scatter [tilespmem:s6], [sflag:$0x2], $0xC400, $0x38;
	[tilespmem:$0x191A0] =	vst v63  }
0x56: {  	s23 =	rddreg [dreg:$0x10]  }
0x57: {  	[tilespmem:s7], [sflag:$0x1] =	stream.indirect.gather [spmem:s1], $0x80, s23, s3, $0xb8;
	[tilespmem:$0x191A0] =	vst v63  }
0x58: {  	s25 =	rddreg [dreg:$0x11]  }
0x59: {  	[tilespmem:s8], [sflag:$0x1] =	stream.indirect.gather [spmem:s1], $0x80, s25, s3, $0xb8;
	[tilespmem:$0x191A0] =	vst v63  }
0x5a: {  	s23 =	rddreg [dreg:$0x12]  }
0x5b: {  	[tilespmem:s9], [sflag:$0x1] =	stream.indirect.gather [spmem:s1], $0x80, s23, s3, $0xb8;
	[tilespmem:$0x191A0] =	vst v63  }
0x5c: {  	s25 =	rddreg [dreg:$0x13]  }
0x5d: {  	[tilespmem:s10], [sflag:$0x1] =	stream.indirect.gather [spmem:s1], $0x80, s25, s3, $0xb8;
	[tilespmem:$0x191A0] =	vst v63  }
0x5e: {  	s23 =	rddreg [dreg:$0x14]  }
0x5f: {  	[tilespmem:s11], [sflag:$0x1] =	stream.indirect.gather [spmem:s1], $0x80, s23, s3, $0xb8;
	[tilespmem:$0x191A0] =	vst v63  }
0x60: {  	s25 =	rddreg [dreg:$0x15]  }
0x61: {  	[tilespmem:s12], [sflag:$0x1] =	stream.indirect.gather [spmem:s1], $0x80, s25, s3, $0xb8;
	[tilespmem:$0x191A0] =	vst v63  }
0x62: {  	s23 =	rddreg [dreg:$0x16]  }
0x63: {  	[tilespmem:s13], [sflag:$0x1] =	stream.indirect.gather [spmem:s1], $0x80, s23, s3, $0xb8;
	[tilespmem:$0x191A0] =	vst v63  }
0x64: {  	_ =	swait.ge [sflag:s4], $0x1C00  }
0x65: {  	[sflag:s4] =	ssyncset.done $0x0  }
0x66: {  	[sflag:s4] =	ssyncadd.s32 $0xFFFFE400  }
0x67: {  	_ =	swait.ge [sflag:s4], $0x1C00  }
0x68: {  	[sflag:s4] =	ssyncset.done $0x0  }
0x69: {  	[sflag:s4] =	ssyncadd.s32 $0xFFFFE400  }
0x6a: {  	_ =	swait.ge [sflag:s4], $0x1C00  }
0x6b: {  	[sflag:s4] =	ssyncset.done $0x0  }
0x6c: {  	[sflag:s4] =	ssyncadd.s32 $0xFFFFE400  }
0x6d: {  	_ =	swait.ge [sflag:s4], $0x1C00  }
0x6e: {  	[sflag:s4] =	ssyncset.done $0x0  }
0x6f: {  	[sflag:s4] =	ssyncadd.s32 $0xFFFFE400  }
0x70: {  	_ =	swait.ge [sflag:s4], $0x1C00  }
0x71: {  	[sflag:s4] =	ssyncset.done $0x0  }
0x72: {  	[sflag:s4] =	ssyncadd.s32 $0xFFFFE400  }
0x73: {  	_ =	swait.ge [sflag:s4], $0x1C00  }
0x74: {  	[sflag:s4] =	ssyncset.done $0x0  }
0x75: {  	[sflag:s4] =	ssyncadd.s32 $0xFFFFE400  }
0x76: {  	_ =	swait.ge [sflag:s4], $0x1C00  }
0x77: {  	[sflag:s4] =	ssyncset.done $0x0  }
0x78: {  	s25 =	rddreg [dreg:$0x6];
	[sflag:s4] =	ssyncadd.s32 $0xFFFFE400  }
0x79: {  	[hbm4b:s25+s2] =	stream.linear.scatter [tilespmem:s7], [sflag:$0x2], $0xC400, $0x38;
	[tilespmem:$0x191A0] =	vst v63  }
0x7a: {  	_ =	swait.ge [sflag:s5], $0xC400  }
0x7b: {  	[sflag:s5] =	ssyncset.done $0x0  }
0x7c: {  	s23 =	rddreg [dreg:$0x17];
	[sflag:s5] =	ssyncadd.s32 $0xFFFF3C00  }
0x7d: {  	[tilespmem:s6], [sflag:$0x1] =	stream.indirect.gather [spmem:s1], $0x80, s23, s3, $0xb8;
	[tilespmem:$0x191A0] =	vst v63  }
0x7e: {  	s25 =	rddreg [dreg:$0x18]  }
0x7f: {  	[tilespmem:s14], [sflag:$0x1] =	stream.indirect.gather [spmem:s1], $0x80, s25, s3, $0xb8;
	[tilespmem:$0x191A0] =	vst v63  }
0x80: {  	s23 =	rddreg [dreg:$0x19]  }
0x81: {  	[tilespmem:s16], [sflag:$0x1] =	stream.indirect.gather [spmem:s1], $0x80, s23, s3, $0xb8;
	[tilespmem:$0x191A0] =	vst v63  }
0x82: {  	s25 =	rddreg [dreg:$0x1a]  }
0x83: {  	[tilespmem:s17], [sflag:$0x1] =	stream.indirect.gather [spmem:s1], $0x80, s25, s3, $0xb8;
	[tilespmem:$0x191A0] =	vst v63  }
0x84: {  	s23 =	rddreg [dreg:$0x1b]  }
0x85: {  	[tilespmem:s18], [sflag:$0x1] =	stream.indirect.gather [spmem:s1], $0x80, s23, s3, $0xb8;
	[tilespmem:$0x191A0] =	vst v63  }
0x86: {  	s25 =	rddreg [dreg:$0x1c]  }
0x87: {  	[tilespmem:s19], [sflag:$0x1] =	stream.indirect.gather [spmem:s1], $0x80, s25, s3, $0xb8;
	[tilespmem:$0x191A0] =	vst v63  }
0x88: {  	s23 =	rddreg [dreg:$0x1d]  }
0x89: {  	[tilespmem:s21], [sflag:$0x1] =	stream.indirect.gather [spmem:s1], $0x80, s23, s3, $0xb8;
	[tilespmem:$0x191A0] =	vst v63  }
0x8a: {  	_ =	swait.ge [sflag:s4], $0x1C00  }
0x8b: {  	[sflag:s4] =	ssyncset.done $0x0  }
0x8c: {  	[sflag:s4] =	ssyncadd.s32 $0xFFFFE400  }
0x8d: {  	_ =	swait.ge [sflag:s4], $0x1C00  }
0x8e: {  	[sflag:s4] =	ssyncset.done $0x0  }
0x8f: {  	[sflag:s4] =	ssyncadd.s32 $0xFFFFE400  }
0x90: {  	_ =	swait.ge [sflag:s4], $0x1C00  }
0x91: {  	[sflag:s4] =	ssyncset.done $0x0  }
0x92: {  	[sflag:s4] =	ssyncadd.s32 $0xFFFFE400  }
0x93: {  	_ =	swait.ge [sflag:s4], $0x1C00  }
0x94: {  	[sflag:s4] =	ssyncset.done $0x0  }
0x95: {  	[sflag:s4] =	ssyncadd.s32 $0xFFFFE400  }
0x96: {  	_ =	swait.ge [sflag:s4], $0x1C00  }
0x97: {  	[sflag:s4] =	ssyncset.done $0x0  }
0x98: {  	[sflag:s4] =	ssyncadd.s32 $0xFFFFE400  }
0x99: {  	_ =	swait.ge [sflag:s4], $0x1C00  }
0x9a: {  	[sflag:s4] =	ssyncset.done $0x0  }
0x9b: {  	[sflag:s4] =	ssyncadd.s32 $0xFFFFE400  }
0x9c: {  	_ =	swait.ge [sflag:s4], $0x1C00  }
0x9d: {  	[sflag:s4] =	ssyncset.done $0x0  }
0x9e: {  	s23 =	rddreg [dreg:$0x7];
	[sflag:s4] =	ssyncadd.s32 $0xFFFFE400  }
0x9f: {  	[hbm4b:s23+s2] =	stream.linear.scatter [tilespmem:s6], [sflag:$0x2], $0xC400, $0x38;
	[tilespmem:$0x191A0] =	vst v63  }
0xa0: {  	_ =	swait.ge [sflag:s5], $0xC400  }
0xa1: {  	s25 =	rddreg [dreg:$0x1e];
	[sflag:s5] =	ssyncset.done $0x0  }
0xa2: {  	s23 =	rddreg [dreg:$0x1f];
	[sflag:s5] =	ssyncadd.s32 $0xFFFF3C00  }
0xa3: {  	[tilespmem:s7], [sflag:$0x1] =	stream.indirect.gather [spmem:s1], $0x80, s25, s3, $0xb8;
	[tilespmem:$0x191A0] =	vst v63  }
0xa4: {  	s15 =	sld [smem:$0x7FA]  }
0xa5: {  	[tilespmem:s8], [sflag:$0x1] =	stream.indirect.gather [spmem:s1], $0x80, s23, s3, $0xb8;
	[tilespmem:$0x191A0] =	vst v63  }
0xa6: {  	s23 =	sld [smem:$0x7FB]  }
0xa7: {  	[tilespmem:s9], [sflag:$0x1] =	stream.indirect.gather [spmem:s1], $0x80, s15, s3, $0xb8;
	[tilespmem:$0x191A0] =	vst v63  }
0xa8: {  	s15 =	sld [smem:$0x7FC]  }
0xa9: {  	[tilespmem:s10], [sflag:$0x1] =	stream.indirect.gather [spmem:s1], $0x80, s23, s3, $0xb8;
	[tilespmem:$0x191A0] =	vst v63  }
0xaa: {  	s23 =	sld [smem:$0x7FD]  }
0xab: {  	[tilespmem:s11], [sflag:$0x1] =	stream.indirect.gather [spmem:s1], $0x80, s15, s3, $0xb8;
	[tilespmem:$0x191A0] =	vst v63  }
0xac: {  	_ = 	snop  }
0xad: {  	[tilespmem:s12], [sflag:$0x1] =	stream.indirect.gather [spmem:s1], $0x80, s23, s3, $0xb8;
	[tilespmem:$0x191A0] =	vst v63  }
0xae: {  	_ = 	snop  }
0xaf: {  	[tilespmem:s13], [sflag:$0x1] =	stream.indirect.gather [spmem:s1], $0x80, s26, s3, $0xb8;
	[tilespmem:$0x191A0] =	vst v63  }
0xb0: {  	_ =	swait.ge [sflag:s4], $0x1C00  }
0xb1: {  	[sflag:s4] =	ssyncset.done $0x0  }
0xb2: {  	[sflag:s4] =	ssyncadd.s32 $0xFFFFE400  }
0xb3: {  	_ =	swait.ge [sflag:s4], $0x1C00  }
0xb4: {  	[sflag:s4] =	ssyncset.done $0x0  }
0xb5: {  	[sflag:s4] =	ssyncadd.s32 $0xFFFFE400  }
0xb6: {  	_ =	swait.ge [sflag:s4], $0x1C00  }
0xb7: {  	[sflag:s4] =	ssyncset.done $0x0  }
0xb8: {  	[sflag:s4] =	ssyncadd.s32 $0xFFFFE400  }
0xb9: {  	_ =	swait.ge [sflag:s4], $0x1C00  }
0xba: {  	[sflag:s4] =	ssyncset.done $0x0  }
0xbb: {  	[sflag:s4] =	ssyncadd.s32 $0xFFFFE400  }
0xbc: {  	_ =	swait.ge [sflag:s4], $0x1C00  }
0xbd: {  	[sflag:s4] =	ssyncset.done $0x0  }
0xbe: {  	[sflag:s4] =	ssyncadd.s32 $0xFFFFE400  }
0xbf: {  	_ =	swait.ge [sflag:s4], $0x1C00  }
0xc0: {  	[sflag:s4] =	ssyncset.done $0x0  }
0xc1: {  	[sflag:s4] =	ssyncadd.s32 $0xFFFFE400  }
0xc2: {  	_ =	swait.ge [sflag:s4], $0x1C00  }
0xc3: {  	s25 =	simm.s32 @p1 $0x2;
	s23 =	simm.s32 @p1 $0x0;
	[sflag:s4] =	ssyncset.done $0x0  }
0xc4: {  	s26 =	simm.s32 @p1 $0xCDA0;
	s15 =	rddreg [dreg:$0x9];
	[sflag:s4] =	ssyncadd.s32 $0xFFFFE400  }
0xc5: {  	[hbm4b:s15+s23] =	stream.linear.scatter @p1 [tilespmem:s26], [sflag:$0x2], $0x6C00, $0x38;
	[tilespmem:$0x191A0] =	vst v63  }
0xc6: {  	s29 =	simm.s32 @!p1 $0x2;
	s30 =	simm.s32 @!p1 $0x0;
	_ =	swait.ge @p1 [sflag:s25], $0x6C00  }
0xc7: {  	s31 =	simm.s32 @!p1 $0xCDA0;
	s0 =	sadd.s32 $0xFFFFFFFF, s0;
	[sflag:s25] =	ssyncset.done @p1 $0x0  }
0xc8: {  	p3 =	sne.s32 s0, $0x0;
	s15 =	rddreg [dreg:$0x8];
	[sflag:s25] =	ssyncadd.s32 @p1 $0xFFFF9400  }
0xc9: {  	[hbm4b:s15+s30] =	stream.linear.scatter @!p1 [tilespmem:s31], [sflag:$0x2], $0xC400, $0x38;
	[tilespmem:$0x191A0] =	vst v63  }
.Ltmp1:
0xca: {  	_ =	swait.ge @!p1 [sflag:s29], $0xC400;
	(pc) =	sbr.rel @!p3 .LBB2_2-.Ltmp1, $4  }
0xcb: {  	[sflag:s29] =	ssyncset.done @!p1 $0x0  }
0xcc: {  	[sflag:s29] =	ssyncadd.s32 @!p1 $0xFFFF3C00  }
0xcd: {  	s28 =	simm.s32 @p1 $0xCDA0;
	_ =	swait.ge [sflag:s5], $0xC400  }
0xce: {  	p2 =	por $0x1, $0x1;
	s15 =	rddreg [dreg:$0xa];
	[sflag:s5] =	ssyncset.done $0x0  }
.LBB2_3:
0xcf: {  	s23 =	rddreg [dreg:$0x4];
	[sflag:s5] =	ssyncadd.s32 $0xFFFF3C00;
	s26 =	simm.s32 @!p0 $0x1C03  }
0xd0: {  	[spmem:s15], [sflag:s26] =	dma.local @!p0 [hbm:s23], $0x640  }
0xd1: {  	_ =	swait.ge @!p0 [sflag:s24], $0x640  }
0xd2: {  	[sflag:s24] =	ssyncset.done @!p0 $0x0  }
0xd3: {  	s23 =	rddreg [dreg:$0x5];
	[sflag:s24] =	ssyncadd.s32 @!p0 $0xFFFFF9C0  }
0xd4: {  	[tilespmem:s2], [sflag:$0x3] =	stream.linear.gather [hbm4b:s23+s2], $0x620, $0x38;
	[tilespmem:$0x191A0] =	vst v63  }
0xd5: {  	_ =	swait.ge [sflag:s22], $0x620  }
0xd6: {  	[sflag:s22] =	ssyncset.done $0x0  }
0xd7: {  	[sflag:s22] =	ssyncadd.s32 $0xFFFFF9E0  }
0xd8: {  	[bflag:$0x0] =	sbarrier.arrive $0xFFFF  }
0xd9: {  	[tilespmem:s6], [sflag:$0x1] =	stream.indirect.gather [spmem:s1], $0x80, s2, s3, $0xb8;
	[tilespmem:$0x191A0] =	vst v63  }
0xda: {  	_ = 	snop  }
0xdb: {  	[tilespmem:s14], [sflag:$0x1] =	stream.indirect.gather [spmem:s1], $0x80, s3, s3, $0xb8;
	[tilespmem:$0x191A0] =	vst v63  }
0xdc: {  	s26 =	rddreg [dreg:$0xb]  }
0xdd: {  	[tilespmem:s16], [sflag:$0x1] =	stream.indirect.gather [spmem:s1], $0x80, s26, s3, $0xb8;
	[tilespmem:$0x191A0] =	vst v63  }
0xde: {  	s23 =	rddreg [dreg:$0xc]  }
0xdf: {  	[tilespmem:s17], [sflag:$0x1] =	stream.indirect.gather [spmem:s1], $0x80, s23, s3, $0xb8;
	[tilespmem:$0x191A0] =	vst v63  }
0xe0: {  	s26 =	rddreg [dreg:$0xd]  }
0xe1: {  	[tilespmem:s18], [sflag:$0x1] =	stream.indirect.gather [spmem:s1], $0x80, s26, s3, $0xb8;
	[tilespmem:$0x191A0] =	vst v63  }
0xe2: {  	s23 =	rddreg [dreg:$0xe]  }
0xe3: {  	[tilespmem:s19], [sflag:$0x1] =	stream.indirect.gather [spmem:s1], $0x80, s23, s3, $0xb8;
	[tilespmem:$0x191A0] =	vst v63  }
0xe4: {  	s26 =	rddreg [dreg:$0xf]  }
0xe5: {  	[tilespmem:s21], [sflag:$0x1] =	stream.indirect.gather [spmem:s1], $0x80, s26, s3, $0xb8;
	[tilespmem:$0x191A0] =	vst v63  }
0xe6: {  	_ =	swait.ge [sflag:s4], $0x1C00  }
0xe7: {  	[sflag:s4] =	ssyncset.done $0x0  }
0xe8: {  	[sflag:s4] =	ssyncadd.s32 $0xFFFFE400  }
0xe9: {  	_ =	swait.ge [sflag:s4], $0x1C00  }
0xea: {  	[sflag:s4] =	ssyncset.done $0x0  }
0xeb: {  	[sflag:s4] =	ssyncadd.s32 $0xFFFFE400  }
0xec: {  	_ =	swait.ge [sflag:s4], $0x1C00  }
0xed: {  	[sflag:s4] =	ssyncset.done $0x0  }
0xee: {  	[sflag:s4] =	ssyncadd.s32 $0xFFFFE400  }
0xef: {  	_ =	swait.ge [sflag:s4], $0x1C00  }
0xf0: {  	[sflag:s4] =	ssyncset.done $0x0  }
0xf1: {  	[sflag:s4] =	ssyncadd.s32 $0xFFFFE400  }
0xf2: {  	_ =	swait.ge [sflag:s4], $0x1C00  }
0xf3: {  	[sflag:s4] =	ssyncset.done $0x0  }
0xf4: {  	[sflag:s4] =	ssyncadd.s32 $0xFFFFE400  }
0xf5: {  	_ =	swait.ge [sflag:s4], $0x1C00  }
0xf6: {  	[sflag:s4] =	ssyncset.done $0x0  }
0xf7: {  	[sflag:s4] =	ssyncadd.s32 $0xFFFFE400  }
0xf8: {  	_ =	swait.ge [sflag:s4], $0x1C00  }
0xf9: {  	[sflag:s4] =	ssyncset.done $0x0  }
0xfa: {  	[sflag:s4] =	ssyncadd.s32 $0xFFFFE400  }
0xfb: {  	[hbm4b:s20+s2] =	stream.linear.scatter [tilespmem:s6], [sflag:$0x2], $0xC400, $0x38;
	[tilespmem:$0x191A0] =	vst v63  }
0xfc: {  	s26 =	rddreg [dreg:$0x10]  }
0xfd: {  	[tilespmem:s7], [sflag:$0x1] =	stream.indirect.gather [spmem:s1], $0x80, s26, s3, $0xb8;
	[tilespmem:$0x191A0] =	vst v63  }
0xfe: {  	s23 =	rddreg [dreg:$0x11]  }
0xff: {  	[tilespmem:s8], [sflag:$0x1] =	stream.indirect.gather [spmem:s1], $0x80, s23, s3, $0xb8;
	[tilespmem:$0x191A0] =	vst v63  }
0x100: {  	s26 =	rddreg [dreg:$0x12]  }
0x101: {  	[tilespmem:s9], [sflag:$0x1] =	stream.indirect.gather [spmem:s1], $0x80, s26, s3, $0xb8;
	[tilespmem:$0x191A0] =	vst v63  }
0x102: {  	s23 =	rddreg [dreg:$0x13]  }
0x103: {  	[tilespmem:s10], [sflag:$0x1] =	stream.indirect.gather [spmem:s1], $0x80, s23, s3, $0xb8;
	[tilespmem:$0x191A0] =	vst v63  }
0x104: {  	s26 =	rddreg [dreg:$0x14]  }
0x105: {  	[tilespmem:s11], [sflag:$0x1] =	stream.indirect.gather [spmem:s1], $0x80, s26, s3, $0xb8;
	[tilespmem:$0x191A0] =	vst v63  }
0x106: {  	s23 =	rddreg [dreg:$0x15]  }
0x107: {  	[tilespmem:s12], [sflag:$0x1] =	stream.indirect.gather [spmem:s1], $0x80, s23, s3, $0xb8;
	[tilespmem:$0x191A0] =	vst v63  }
0x108: {  	s26 =	rddreg [dreg:$0x16]  }
0x109: {  	[tilespmem:s13], [sflag:$0x1] =	stream.indirect.gather [spmem:s1], $0x80, s26, s3, $0xb8;
	[tilespmem:$0x191A0] =	vst v63  }
0x10a: {  	_ =	swait.ge [sflag:s4], $0x1C00  }
0x10b: {  	[sflag:s4] =	ssyncset.done $0x0  }
0x10c: {  	[sflag:s4] =	ssyncadd.s32 $0xFFFFE400  }
0x10d: {  	_ =	swait.ge [sflag:s4], $0x1C00  }
0x10e: {  	[sflag:s4] =	ssyncset.done $0x0  }
0x10f: {  	[sflag:s4] =	ssyncadd.s32 $0xFFFFE400  }
0x110: {  	_ =	swait.ge [sflag:s4], $0x1C00  }
0x111: {  	[sflag:s4] =	ssyncset.done $0x0  }
0x112: {  	[sflag:s4] =	ssyncadd.s32 $0xFFFFE400  }
0x113: {  	_ =	swait.ge [sflag:s4], $0x1C00  }
0x114: {  	[sflag:s4] =	ssyncset.done $0x0  }
0x115: {  	[sflag:s4] =	ssyncadd.s32 $0xFFFFE400  }
0x116: {  	_ =	swait.ge [sflag:s4], $0x1C00  }
0x117: {  	[sflag:s4] =	ssyncset.done $0x0  }
0x118: {  	[sflag:s4] =	ssyncadd.s32 $0xFFFFE400  }
0x119: {  	_ =	swait.ge [sflag:s4], $0x1C00  }
0x11a: {  	[sflag:s4] =	ssyncset.done $0x0  }
0x11b: {  	[sflag:s4] =	ssyncadd.s32 $0xFFFFE400  }
0x11c: {  	_ =	swait.ge [sflag:s4], $0x1C00  }
0x11d: {  	[sflag:s4] =	ssyncset.done $0x0  }
0x11e: {  	s23 =	rddreg [dreg:$0x6];
	[sflag:s4] =	ssyncadd.s32 $0xFFFFE400  }
0x11f: {  	[hbm4b:s23+s2] =	stream.linear.scatter [tilespmem:s7], [sflag:$0x2], $0xC400, $0x38;
	[tilespmem:$0x191A0] =	vst v63  }
0x120: {  	_ =	swait.ge [sflag:s5], $0xC400  }
0x121: {  	[sflag:s5] =	ssyncset.done $0x0  }
0x122: {  	s26 =	rddreg [dreg:$0x17];
	[sflag:s5] =	ssyncadd.s32 $0xFFFF3C00  }
0x123: {  	[tilespmem:s6], [sflag:$0x1] =	stream.indirect.gather [spmem:s1], $0x80, s26, s3, $0xb8;
	[tilespmem:$0x191A0] =	vst v63  }
0x124: {  	s23 =	rddreg [dreg:$0x18]  }
0x125: {  	[tilespmem:s14], [sflag:$0x1] =	stream.indirect.gather [spmem:s1], $0x80, s23, s3, $0xb8;
	[tilespmem:$0x191A0] =	vst v63  }
0x126: {  	s26 =	rddreg [dreg:$0x19]  }
0x127: {  	[tilespmem:s16], [sflag:$0x1] =	stream.indirect.gather [spmem:s1], $0x80, s26, s3, $0xb8;
	[tilespmem:$0x191A0] =	vst v63  }
0x128: {  	s23 =	rddreg [dreg:$0x1a]  }
0x129: {  	[tilespmem:s17], [sflag:$0x1] =	stream.indirect.gather [spmem:s1], $0x80, s23, s3, $0xb8;
	[tilespmem:$0x191A0] =	vst v63  }
0x12a: {  	s26 =	rddreg [dreg:$0x1b]  }
0x12b: {  	[tilespmem:s18], [sflag:$0x1] =	stream.indirect.gather [spmem:s1], $0x80, s26, s3, $0xb8;
	[tilespmem:$0x191A0] =	vst v63  }
0x12c: {  	s23 =	rddreg [dreg:$0x1c]  }
0x12d: {  	[tilespmem:s19], [sflag:$0x1] =	stream.indirect.gather [spmem:s1], $0x80, s23, s3, $0xb8;
	[tilespmem:$0x191A0] =	vst v63  }
0x12e: {  	s26 =	rddreg [dreg:$0x1d]  }
0x12f: {  	[tilespmem:s21], [sflag:$0x1] =	stream.indirect.gather [spmem:s1], $0x80, s26, s3, $0xb8;
	[tilespmem:$0x191A0] =	vst v63  }
0x130: {  	_ =	swait.ge [sflag:s4], $0x1C00  }
0x131: {  	[sflag:s4] =	ssyncset.done $0x0  }
0x132: {  	[sflag:s4] =	ssyncadd.s32 $0xFFFFE400  }
0x133: {  	_ =	swait.ge [sflag:s4], $0x1C00  }
0x134: {  	[sflag:s4] =	ssyncset.done $0x0  }
0x135: {  	[sflag:s4] =	ssyncadd.s32 $0xFFFFE400  }
0x136: {  	_ =	swait.ge [sflag:s4], $0x1C00  }
0x137: {  	[sflag:s4] =	ssyncset.done $0x0  }
0x138: {  	[sflag:s4] =	ssyncadd.s32 $0xFFFFE400  }
0x139: {  	_ =	swait.ge [sflag:s4], $0x1C00  }
0x13a: {  	[sflag:s4] =	ssyncset.done $0x0  }
0x13b: {  	[sflag:s4] =	ssyncadd.s32 $0xFFFFE400  }
0x13c: {  	_ =	swait.ge [sflag:s4], $0x1C00  }
0x13d: {  	[sflag:s4] =	ssyncset.done $0x0  }
0x13e: {  	[sflag:s4] =	ssyncadd.s32 $0xFFFFE400  }
0x13f: {  	_ =	swait.ge [sflag:s4], $0x1C00  }
0x140: {  	[sflag:s4] =	ssyncset.done $0x0  }
0x141: {  	[sflag:s4] =	ssyncadd.s32 $0xFFFFE400  }
0x142: {  	_ =	swait.ge [sflag:s4], $0x1C00  }
0x143: {  	[sflag:s4] =	ssyncset.done $0x0  }
0x144: {  	s26 =	rddreg [dreg:$0x7];
	[sflag:s4] =	ssyncadd.s32 $0xFFFFE400  }
0x145: {  	[hbm4b:s26+s2] =	stream.linear.scatter [tilespmem:s6], [sflag:$0x2], $0xC400, $0x38;
	[tilespmem:$0x191A0] =	vst v63  }
0x146: {  	_ =	swait.ge [sflag:s5], $0xC400  }
0x147: {  	s23 =	rddreg [dreg:$0x1e];
	[sflag:s5] =	ssyncset.done $0x0  }
0x148: {  	s26 =	rddreg [dreg:$0x1f];
	[sflag:s5] =	ssyncadd.s32 $0xFFFF3C00  }
0x149: {  	[tilespmem:s7], [sflag:$0x1] =	stream.indirect.gather [spmem:s1], $0x80, s23, s3, $0xb8;
	[tilespmem:$0x191A0] =	vst v63  }
0x14a: {  	s15 =	sld [smem:$0x7FA]  }
0x14b: {  	[tilespmem:s8], [sflag:$0x1] =	stream.indirect.gather [spmem:s1], $0x80, s26, s3, $0xb8;
	[tilespmem:$0x191A0] =	vst v63  }
0x14c: {  	s26 =	sld [smem:$0x7FB]  }
0x14d: {  	[tilespmem:s9], [sflag:$0x1] =	stream.indirect.gather [spmem:s1], $0x80, s15, s3, $0xb8;
	[tilespmem:$0x191A0] =	vst v63  }
0x14e: {  	s15 =	sld [smem:$0x7FC]  }
0x14f: {  	[tilespmem:s10], [sflag:$0x1] =	stream.indirect.gather [spmem:s1], $0x80, s26, s3, $0xb8;
	[tilespmem:$0x191A0] =	vst v63  }
0x150: {  	s26 =	sld [smem:$0x7FD]  }
0x151: {  	[tilespmem:s11], [sflag:$0x1] =	stream.indirect.gather [spmem:s1], $0x80, s15, s3, $0xb8;
	[tilespmem:$0x191A0] =	vst v63  }
0x152: {  	_ = 	snop  }
0x153: {  	[tilespmem:s12], [sflag:$0x1] =	stream.indirect.gather [spmem:s1], $0x80, s26, s3, $0xb8;
	[tilespmem:$0x191A0] =	vst v63  }
0x154: {  	s26 =	simm.s32 $0x5E8  }
0x155: {  	[tilespmem:s13], [sflag:$0x1] =	stream.indirect.gather [spmem:s1], $0x80, s26, s3, $0xb8;
	[tilespmem:$0x191A0] =	vst v63  }
0x156: {  	_ =	swait.ge [sflag:s4], $0x1C00  }
0x157: {  	[sflag:s4] =	ssyncset.done $0x0  }
0x158: {  	[sflag:s4] =	ssyncadd.s32 $0xFFFFE400  }
0x159: {  	_ =	swait.ge [sflag:s4], $0x1C00  }
0x15a: {  	[sflag:s4] =	ssyncset.done $0x0  }
0x15b: {  	[sflag:s4] =	ssyncadd.s32 $0xFFFFE400  }
0x15c: {  	_ =	swait.ge [sflag:s4], $0x1C00  }
0x15d: {  	[sflag:s4] =	ssyncset.done $0x0  }
0x15e: {  	[sflag:s4] =	ssyncadd.s32 $0xFFFFE400  }
0x15f: {  	_ =	swait.ge [sflag:s4], $0x1C00  }
0x160: {  	[sflag:s4] =	ssyncset.done $0x0  }
0x161: {  	[sflag:s4] =	ssyncadd.s32 $0xFFFFE400  }
0x162: {  	_ =	swait.ge [sflag:s4], $0x1C00  }
0x163: {  	[sflag:s4] =	ssyncset.done $0x0  }
0x164: {  	[sflag:s4] =	ssyncadd.s32 $0xFFFFE400  }
0x165: {  	_ =	swait.ge [sflag:s4], $0x1C00  }
0x166: {  	[sflag:s4] =	ssyncset.done $0x0  }
0x167: {  	[sflag:s4] =	ssyncadd.s32 $0xFFFFE400  }
0x168: {  	_ =	swait.ge [sflag:s4], $0x1C00  }
0x169: {  	[sflag:s4] =	ssyncset.done $0x0  }
0x16a: {  	s23 =	simm.s32 @p1 $0x0;
	s15 =	rddreg [dreg:$0x9];
	[sflag:s4] =	ssyncadd.s32 $0xFFFFE400  }
0x16b: {  	[hbm4b:s15+s23] =	stream.linear.scatter @p1 [tilespmem:s28], [sflag:$0x2], $0x6C00, $0x38;
	[tilespmem:$0x191A0] =	vst v63  }
0x16c: {  	_ =	swait.ge @p1 [sflag:s25], $0x6C00  }
0x16d: {  	s0 =	sadd.s32 $0xFFFFFFFF, s0;
	[sflag:s25] =	ssyncset.done @p1 $0x0  }
0x16e: {  	p3 =	sne.s32 s0, $0x0;
	s15 =	rddreg [dreg:$0x8];
	[sflag:s25] =	ssyncadd.s32 @p1 $0xFFFF9400  }
0x16f: {  	[hbm4b:s15+s30] =	stream.linear.scatter @!p1 [tilespmem:s31], [sflag:$0x2], $0xC400, $0x38;
	[tilespmem:$0x191A0] =	vst v63  }
.Ltmp2:
0x170: {  	_ =	swait.ge @!p1 [sflag:s29], $0xC400;
	(pc) =	sbr.rel @p3 .LBB2_3-.Ltmp2, $4  }
0x171: {  	[sflag:s29] =	ssyncset.done @!p1 $0x0  }
0x172: {  	[sflag:s29] =	ssyncadd.s32 @!p1 $0xFFFF3C00  }
0x173: {  	_ =	swait.ge [sflag:s5], $0xC400  }
0x174: {  	s15 =	rddreg [dreg:$0xa];
	[sflag:s5] =	ssyncset.done $0x0  }
0x175: {  	s24 =	rddreg [dreg:$0x3];
	s26 =	simm.s32 $0x5E8  }
.LBB2_5:
0x176: {  	s0 =	rddreg [dreg:$0x4];
	[sflag:s5] =	ssyncadd.s32 @p2 $0xFFFF3C00;
	s23 =	simm.s32 @!p0 $0x1C03  }
0x177: {  	[spmem:s15], [sflag:s23] =	dma.local @!p0 [hbm:s0], $0x640  }
0x178: {  	s0 =	simm.s32 @!p0 $0x3  }
0x179: {  	_ =	swait.ge @!p0 [sflag:s0], $0x640  }
0x17a: {  	[sflag:s0] =	ssyncset.done @!p0 $0x0  }
0x17b: {  	s31 =	rddreg [dreg:$0x5];
	[sflag:s0] =	ssyncadd.s32 @!p0 $0xFFFFF9C0  }
0x17c: {  	[tilespmem:s2], [sflag:$0x3] =	stream.linear.gather [hbm4b:s31+s2], $0x620, $0x38;
	[tilespmem:$0x191A0] =	vst v63  }
0x17d: {  	_ =	swait.ge [sflag:s22], $0x620  }
0x17e: {  	[sflag:s22] =	ssyncset.done $0x0  }
0x17f: {  	[sflag:s22] =	ssyncadd.s32 $0xFFFFF9E0  }
0x180: {  	[bflag:$0x0] =	sbarrier.arrive $0xFFFF  }
0x181: {  	[tilespmem:s6], [sflag:$0x1] =	stream.indirect.gather [spmem:s1], $0x80, s2, s3, $0xb8;
	[tilespmem:$0x191A0] =	vst v63  }
0x182: {  	_ = 	snop  }
0x183: {  	[tilespmem:s14], [sflag:$0x1] =	stream.indirect.gather [spmem:s1], $0x80, s3, s3, $0xb8;
	[tilespmem:$0x191A0] =	vst v63  }
0x184: {  	s15 =	rddreg [dreg:$0xb]  }
0x185: {  	[tilespmem:s16], [sflag:$0x1] =	stream.indirect.gather [spmem:s1], $0x80, s15, s3, $0xb8;
	[tilespmem:$0x191A0] =	vst v63  }
0x186: {  	s22 =	rddreg [dreg:$0xc]  }
0x187: {  	[tilespmem:s17], [sflag:$0x1] =	stream.indirect.gather [spmem:s1], $0x80, s22, s3, $0xb8;
	[tilespmem:$0x191A0] =	vst v63  }
0x188: {  	s23 =	rddreg [dreg:$0xd]  }
0x189: {  	[tilespmem:s18], [sflag:$0x1] =	stream.indirect.gather [spmem:s1], $0x80, s23, s3, $0xb8;
	[tilespmem:$0x191A0] =	vst v63  }
0x18a: {  	s25 =	rddreg [dreg:$0xe]  }
0x18b: {  	[tilespmem:s19], [sflag:$0x1] =	stream.indirect.gather [spmem:s1], $0x80, s25, s3, $0xb8;
	[tilespmem:$0x191A0] =	vst v63  }
0x18c: {  	s28 =	rddreg [dreg:$0xf]  }
0x18d: {  	[tilespmem:s21], [sflag:$0x1] =	stream.indirect.gather [spmem:s1], $0x80, s28, s3, $0xb8;
	[tilespmem:$0x191A0] =	vst v63  }
0x18e: {  	_ =	swait.ge [sflag:s4], $0x1C00  }
0x18f: {  	[sflag:s4] =	ssyncset.done $0x0  }
0x190: {  	[sflag:s4] =	ssyncadd.s32 $0xFFFFE400  }
0x191: {  	_ =	swait.ge [sflag:s4], $0x1C00  }
0x192: {  	[sflag:s4] =	ssyncset.done $0x0  }
0x193: {  	[sflag:s4] =	ssyncadd.s32 $0xFFFFE400  }
0x194: {  	_ =	swait.ge [sflag:s4], $0x1C00  }
0x195: {  	[sflag:s4] =	ssyncset.done $0x0  }
0x196: {  	[sflag:s4] =	ssyncadd.s32 $0xFFFFE400  }
0x197: {  	_ =	swait.ge [sflag:s4], $0x1C00  }
0x198: {  	[sflag:s4] =	ssyncset.done $0x0  }
0x199: {  	[sflag:s4] =	ssyncadd.s32 $0xFFFFE400  }
0x19a: {  	_ =	swait.ge [sflag:s4], $0x1C00  }
0x19b: {  	[sflag:s4] =	ssyncset.done $0x0  }
0x19c: {  	[sflag:s4] =	ssyncadd.s32 $0xFFFFE400  }
0x19d: {  	_ =	swait.ge [sflag:s4], $0x1C00  }
0x19e: {  	[sflag:s4] =	ssyncset.done $0x0  }
0x19f: {  	[sflag:s4] =	ssyncadd.s32 $0xFFFFE400  }
0x1a0: {  	_ =	swait.ge [sflag:s4], $0x1C00  }
0x1a1: {  	[sflag:s4] =	ssyncset.done $0x0  }
0x1a2: {  	[sflag:s4] =	ssyncadd.s32 $0xFFFFE400  }
0x1a3: {  	[hbm4b:s20+s2] =	stream.linear.scatter [tilespmem:s6], [sflag:$0x2], $0xC400, $0x38;
	[tilespmem:$0x191A0] =	vst v63  }
0x1a4: {  	s29 =	rddreg [dreg:$0x10]  }
0x1a5: {  	[tilespmem:s7], [sflag:$0x1] =	stream.indirect.gather [spmem:s1], $0x80, s29, s3, $0xb8;
	[tilespmem:$0x191A0] =	vst v63  }
0x1a6: {  	s30 =	rddreg [dreg:$0x11]  }
0x1a7: {  	[tilespmem:s8], [sflag:$0x1] =	stream.indirect.gather [spmem:s1], $0x80, s30, s3, $0xb8;
	[tilespmem:$0x191A0] =	vst v63  }
0x1a8: {  	s31 =	rddreg [dreg:$0x12]  }
0x1a9: {  	[tilespmem:s9], [sflag:$0x1] =	stream.indirect.gather [spmem:s1], $0x80, s31, s3, $0xb8;
	[tilespmem:$0x191A0] =	vst v63  }
0x1aa: {  	s20 =	rddreg [dreg:$0x13]  }
0x1ab: {  	[tilespmem:s10], [sflag:$0x1] =	stream.indirect.gather [spmem:s1], $0x80, s20, s3, $0xb8;
	[tilespmem:$0x191A0] =	vst v63  }
0x1ac: {  	s22 =	rddreg [dreg:$0x14]  }
0x1ad: {  	[tilespmem:s11], [sflag:$0x1] =	stream.indirect.gather [spmem:s1], $0x80, s22, s3, $0xb8;
	[tilespmem:$0x191A0] =	vst v63  }
0x1ae: {  	s23 =	rddreg [dreg:$0x15]  }
0x1af: {  	[tilespmem:s12], [sflag:$0x1] =	stream.indirect.gather [spmem:s1], $0x80, s23, s3, $0xb8;
	[tilespmem:$0x191A0] =	vst v63  }
0x1b0: {  	s25 =	rddreg [dreg:$0x16]  }
0x1b1: {  	[tilespmem:s13], [sflag:$0x1] =	stream.indirect.gather [spmem:s1], $0x80, s25, s3, $0xb8;
	[tilespmem:$0x191A0] =	vst v63  }
0x1b2: {  	_ =	swait.ge [sflag:s4], $0x1C00  }
0x1b3: {  	[sflag:s4] =	ssyncset.done $0x0  }
0x1b4: {  	[sflag:s4] =	ssyncadd.s32 $0xFFFFE400  }
0x1b5: {  	_ =	swait.ge [sflag:s4], $0x1C00  }
0x1b6: {  	[sflag:s4] =	ssyncset.done $0x0  }
0x1b7: {  	[sflag:s4] =	ssyncadd.s32 $0xFFFFE400  }
0x1b8: {  	_ =	swait.ge [sflag:s4], $0x1C00  }
0x1b9: {  	[sflag:s4] =	ssyncset.done $0x0  }
0x1ba: {  	[sflag:s4] =	ssyncadd.s32 $0xFFFFE400  }
0x1bb: {  	_ =	swait.ge [sflag:s4], $0x1C00  }
0x1bc: {  	[sflag:s4] =	ssyncset.done $0x0  }
0x1bd: {  	[sflag:s4] =	ssyncadd.s32 $0xFFFFE400  }
0x1be: {  	_ =	swait.ge [sflag:s4], $0x1C00  }
0x1bf: {  	[sflag:s4] =	ssyncset.done $0x0  }
0x1c0: {  	[sflag:s4] =	ssyncadd.s32 $0xFFFFE400  }
0x1c1: {  	_ =	swait.ge [sflag:s4], $0x1C00  }
0x1c2: {  	[sflag:s4] =	ssyncset.done $0x0  }
0x1c3: {  	[sflag:s4] =	ssyncadd.s32 $0xFFFFE400  }
0x1c4: {  	_ =	swait.ge [sflag:s4], $0x1C00  }
0x1c5: {  	[sflag:s4] =	ssyncset.done $0x0  }
0x1c6: {  	s28 =	rddreg [dreg:$0x6];
	[sflag:s4] =	ssyncadd.s32 $0xFFFFE400  }
0x1c7: {  	[hbm4b:s28+s2] =	stream.linear.scatter [tilespmem:s7], [sflag:$0x2], $0xC400, $0x38;
	[tilespmem:$0x191A0] =	vst v63  }
0x1c8: {  	_ =	swait.ge [sflag:s5], $0xC400  }
0x1c9: {  	[sflag:s5] =	ssyncset.done $0x0  }
0x1ca: {  	s29 =	rddreg [dreg:$0x17];
	[sflag:s5] =	ssyncadd.s32 $0xFFFF3C00  }
0x1cb: {  	[tilespmem:s6], [sflag:$0x1] =	stream.indirect.gather [spmem:s1], $0x80, s29, s3, $0xb8;
	[tilespmem:$0x191A0] =	vst v63  }
0x1cc: {  	s30 =	rddreg [dreg:$0x18]  }
0x1cd: {  	[tilespmem:s14], [sflag:$0x1] =	stream.indirect.gather [spmem:s1], $0x80, s30, s3, $0xb8;
	[tilespmem:$0x191A0] =	vst v63  }
0x1ce: {  	s31 =	rddreg [dreg:$0x19]  }
0x1cf: {  	[tilespmem:s16], [sflag:$0x1] =	stream.indirect.gather [spmem:s1], $0x80, s31, s3, $0xb8;
	[tilespmem:$0x191A0] =	vst v63  }
0x1d0: {  	s15 =	rddreg [dreg:$0x1a]  }
0x1d1: {  	[tilespmem:s17], [sflag:$0x1] =	stream.indirect.gather [spmem:s1], $0x80, s15, s3, $0xb8;
	[tilespmem:$0x191A0] =	vst v63  }
0x1d2: {  	s16 =	rddreg [dreg:$0x1b]  }
0x1d3: {  	[tilespmem:s18], [sflag:$0x1] =	stream.indirect.gather [spmem:s1], $0x80, s16, s3, $0xb8;
	[tilespmem:$0x191A0] =	vst v63  }
0x1d4: {  	s17 =	rddreg [dreg:$0x1c]  }
0x1d5: {  	[tilespmem:s19], [sflag:$0x1] =	stream.indirect.gather [spmem:s1], $0x80, s17, s3, $0xb8;
	[tilespmem:$0x191A0] =	vst v63  }
0x1d6: {  	s20 =	rddreg [dreg:$0x1d]  }
0x1d7: {  	[tilespmem:s21], [sflag:$0x1] =	stream.indirect.gather [spmem:s1], $0x80, s20, s3, $0xb8;
	[tilespmem:$0x191A0] =	vst v63  }
0x1d8: {  	_ =	swait.ge [sflag:s4], $0x1C00  }
0x1d9: {  	[sflag:s4] =	ssyncset.done $0x0  }
0x1da: {  	[sflag:s4] =	ssyncadd.s32 $0xFFFFE400  }
0x1db: {  	_ =	swait.ge [sflag:s4], $0x1C00  }
0x1dc: {  	[sflag:s4] =	ssyncset.done $0x0  }
0x1dd: {  	[sflag:s4] =	ssyncadd.s32 $0xFFFFE400  }
0x1de: {  	_ =	swait.ge [sflag:s4], $0x1C00  }
0x1df: {  	[sflag:s4] =	ssyncset.done $0x0  }
0x1e0: {  	[sflag:s4] =	ssyncadd.s32 $0xFFFFE400  }
0x1e1: {  	_ =	swait.ge [sflag:s4], $0x1C00  }
0x1e2: {  	[sflag:s4] =	ssyncset.done $0x0  }
0x1e3: {  	[sflag:s4] =	ssyncadd.s32 $0xFFFFE400  }
0x1e4: {  	_ =	swait.ge [sflag:s4], $0x1C00  }
0x1e5: {  	[sflag:s4] =	ssyncset.done $0x0  }
0x1e6: {  	[sflag:s4] =	ssyncadd.s32 $0xFFFFE400  }
0x1e7: {  	_ =	swait.ge [sflag:s4], $0x1C00  }
0x1e8: {  	[sflag:s4] =	ssyncset.done $0x0  }
0x1e9: {  	[sflag:s4] =	ssyncadd.s32 $0xFFFFE400  }
0x1ea: {  	_ =	swait.ge [sflag:s4], $0x1C00  }
0x1eb: {  	[sflag:s4] =	ssyncset.done $0x0  }
0x1ec: {  	s22 =	rddreg [dreg:$0x7];
	[sflag:s4] =	ssyncadd.s32 $0xFFFFE400  }
0x1ed: {  	[hbm4b:s22+s2] =	stream.linear.scatter [tilespmem:s6], [sflag:$0x2], $0xC400, $0x38;
	[tilespmem:$0x191A0] =	vst v63  }
0x1ee: {  	_ =	swait.ge [sflag:s5], $0xC400  }
0x1ef: {  	s23 =	rddreg [dreg:$0x1e];
	[sflag:s5] =	ssyncset.done $0x0  }
0x1f0: {  	s25 =	rddreg [dreg:$0x1f];
	[sflag:s5] =	ssyncadd.s32 $0xFFFF3C00  }
0x1f1: {  	[tilespmem:s7], [sflag:$0x1] =	stream.indirect.gather [spmem:s1], $0x80, s23, s3, $0xb8;
	[tilespmem:$0x191A0] =	vst v63  }
0x1f2: {  	s28 =	sld [smem:$0x7FA]  }
0x1f3: {  	[tilespmem:s8], [sflag:$0x1] =	stream.indirect.gather [spmem:s1], $0x80, s25, s3, $0xb8;
	[tilespmem:$0x191A0] =	vst v63  }
0x1f4: {  	s29 =	sld [smem:$0x7FB]  }
0x1f5: {  	[tilespmem:s9], [sflag:$0x1] =	stream.indirect.gather [spmem:s1], $0x80, s28, s3, $0xb8;
	[tilespmem:$0x191A0] =	vst v63  }
0x1f6: {  	s30 =	sld [smem:$0x7FC]  }
0x1f7: {  	[tilespmem:s10], [sflag:$0x1] =	stream.indirect.gather [spmem:s1], $0x80, s29, s3, $0xb8;
	[tilespmem:$0x191A0] =	vst v63  }
0x1f8: {  	s31 =	sld [smem:$0x7FD]  }
0x1f9: {  	[tilespmem:s11], [sflag:$0x1] =	stream.indirect.gather [spmem:s1], $0x80, s30, s3, $0xb8;
	[tilespmem:$0x191A0] =	vst v63  }
0x1fa: {  	_ = 	snop  }
0x1fb: {  	[tilespmem:s12], [sflag:$0x1] =	stream.indirect.gather [spmem:s1], $0x80, s31, s3, $0xb8;
	[tilespmem:$0x191A0] =	vst v63  }
0x1fc: {  	_ = 	snop  }
0x1fd: {  	[tilespmem:s13], [sflag:$0x1] =	stream.indirect.gather [spmem:s1], $0x80, s26, s3, $0xb8;
	[tilespmem:$0x191A0] =	vst v63  }
0x1fe: {  	_ =	swait.ge [sflag:s4], $0x1C00  }
0x1ff: {  	[sflag:s4] =	ssyncset.done $0x0  }
0x200: {  	[sflag:s4] =	ssyncadd.s32 $0xFFFFE400  }
0x201: {  	_ =	swait.ge [sflag:s4], $0x1C00  }
0x202: {  	[sflag:s4] =	ssyncset.done $0x0  }
0x203: {  	[sflag:s4] =	ssyncadd.s32 $0xFFFFE400  }
0x204: {  	_ =	swait.ge [sflag:s4], $0x1C00  }
0x205: {  	[sflag:s4] =	ssyncset.done $0x0  }
0x206: {  	[sflag:s4] =	ssyncadd.s32 $0xFFFFE400  }
0x207: {  	_ =	swait.ge [sflag:s4], $0x1C00  }
0x208: {  	[sflag:s4] =	ssyncset.done $0x0  }
0x209: {  	[sflag:s4] =	ssyncadd.s32 $0xFFFFE400  }
0x20a: {  	_ =	swait.ge [sflag:s4], $0x1C00  }
0x20b: {  	[sflag:s4] =	ssyncset.done $0x0  }
0x20c: {  	[sflag:s4] =	ssyncadd.s32 $0xFFFFE400  }
0x20d: {  	_ =	swait.ge [sflag:s4], $0x1C00  }
0x20e: {  	[sflag:s4] =	ssyncset.done $0x0  }
0x20f: {  	[sflag:s4] =	ssyncadd.s32 $0xFFFFE400  }
0x210: {  	_ =	swait.ge [sflag:s4], $0x1C00  }
0x211: {  	s2 =	simm.s32 @p1 $0xCDA0;
	[sflag:s4] =	ssyncset.done $0x0  }
0x212: {  	s1 =	simm.s32 @p1 $0x0;
	s0 =	rddreg [dreg:$0x9];
	[sflag:s4] =	ssyncadd.s32 $0xFFFFE400  }
0x213: {  	[hbm4b:s0+s1] =	stream.linear.scatter @p1 [tilespmem:s2], [sflag:$0x2], $0x6C00, $0x38;
	[tilespmem:$0x191A0] =	vst v63  }
0x214: {  	s0 =	simm.s32 @p1 $0x2  }
0x215: {  	_ =	swait.ge @p1 [sflag:s0], $0x6C00  }
0x216: {  	s2 =	simm.s32 @!p1 $0xCDA0;
	[sflag:s0] =	ssyncset.done @p1 $0x0  }
0x217: {  	s1 =	rddreg [dreg:$0x8];
	[sflag:s0] =	ssyncadd.s32 @p1 $0xFFFF9400;
	s0 =	simm.s32 @!p1 $0x0  }
0x218: {  	[hbm4b:s1+s0] =	stream.linear.scatter @!p1 [tilespmem:s2], [sflag:$0x2], $0xC400, $0x38;
	[tilespmem:$0x191A0] =	vst v63  }
0x219: {  	s0 =	simm.s32 @!p1 $0x2  }
0x21a: {  	_ =	swait.ge @!p1 [sflag:s0], $0xC400  }
0x21b: {  	[sflag:s0] =	ssyncset.done @!p1 $0x0  }
0x21c: {  	[sflag:s0] =	ssyncadd.s32 @!p1 $0xFFFF3C00  }
0x21d: {  	_ =	swait.ge [sflag:s5], $0xC400  }
0x21e: {  	[sflag:s5] =	ssyncset.done $0x0  }
0x21f: {  	[sflag:s5] =	ssyncadd.s32 $0xFFFF3C00  }
0x220: {  	_ =	sfence.sel $0x180000  }
0x221: {  	[bflag:$0x0] =	sbarrier.arrive $0xFFFF  }
0x222: {  	_ =	strace $0x90000047  }
0x223: {  	s0 =	sadd.s32 @!p0 $0x100000, s24;
	[bflag:$0x2] =	sbarrier.arrive $0xFFFF  }
0x224: {  	[sflag:s0] =	ssyncadd.tile.s32 @!p0 $0x1;
	_ =	shalt  }
.LBB2_2:
.Ltmp3:
0x225: {  	(pc) =	sbr.rel .LBB2_5-.Ltmp3, $2  }
0x226: {  	_ =	sdelay $0x2  }
0x227: {  	s24 =	rddreg [dreg:$0x3];
	s26 =	simm.s32 $0x5E8  }
.Lfunc_end2:
_tile_overlayer_lowered:
.L_overlay_start_2:
0x228: {  	(tag) =	ssettag $0x2  }
0x229: {  	s0 =	rddreg [dreg:$0x0];
	s2 =	stileid.u32  }
0x22a: {  	s1 =	rddreg [dreg:$0x1];
	p0 =	sne.s32 s2, $0x0  }
0x22b: {  	s3 =	rddreg [dreg:$0x2];
	[bflag:$0x3] =	sbarrier.arrive $0xFFFF;
	s2 =	simm.s32 @!p0 $0x1C03  }
0x22c: {  	[timem:s3], [sflag:s2] =	dma.local @!p0 [hbm:s0], s1  }
0x22d: {  	s0 =	simm.s32 @!p0 $0x3  }
0x22e: {  	_ =	swait.ge @!p0 [sflag:s0], s1  }
0x22f: {  	s1 =	ssub.s32 @!p0 $0x0, s1;
	[sflag:s0] =	ssyncset.done @!p0 $0x0  }
0x230: {  	[sflag:s0] =	ssyncadd.s32 @!p0 s1  }
0x231: {  	[bflag:$0x3] =	sbarrier.arrive $0xFFFF  }
0x232: {  	_ =	shalt  }

</sc_bundles>
